<compile_context>
chip_gen: v7x
topology: tpu7x:2x2x1
jax: 0.10.2.dev20260603
libtpu: 0.0.44.dev20260713+nightly
codegen_flags: <defaults>
</compile_context>

<pallas_src>
import jax
import jax.numpy as jnp
from jax.experimental import pallas as pl
from jax.experimental.pallas import tpu as pltpu


def _topk_mask_general(raw, k):
    c = raw.shape[1]
    bits = jax.lax.bitcast_convert_type(raw + 0.0, jnp.int32)
    key = bits ^ ((bits >> 31) & jnp.int32(0x7FFFFFFF))

    cnt0 = jnp.sum((key >= 0).astype(jnp.int32), axis=1, keepdims=True)
    base = jnp.where(cnt0 >= k, jnp.int32(0), jnp.int32(-2147483648))
    for bit in range(30, -1, -1):
        cand = base + jnp.int32(1 << bit)
        cnt = jnp.sum((key >= cand).astype(jnp.int32), axis=1, keepdims=True)
        base = jnp.where(cnt >= k, cand, base)

    gt = key > base
    eq = key == base
    cnt_gt = jnp.sum(gt.astype(jnp.int32), axis=1, keepdims=True)
    rows = jax.lax.broadcasted_iota(jnp.int32, (c, c), 0)
    cols = jax.lax.broadcasted_iota(jnp.int32, (c, c), 1)
    tri = (rows < cols).astype(jnp.float32)
    eq_prefix = jnp.dot(eq.astype(jnp.float32), tri,
                        preferred_element_type=jnp.float32)
    n_eq = (k - cnt_gt).astype(jnp.float32)
    return jnp.where(gt | (eq & (eq_prefix < n_eq)), 1.0, 0.0)


def _fused_body(x_ref, d_ref, w1_ref, w2_ref, k_ref,
                o_ref, b_ref, raw_ref, m_ref, s_ref):
    c, p = d_ref.shape
    bb = x_ref.shape[0] // c
    rs = pl.ds(pl.program_id(0) * bb, bb)

    x = x_ref[...].reshape(bb, c, p)
    s = jnp.sum(x * d_ref[...][None], axis=-1)
    s_ref[rs, :] = s

    h = jnp.maximum(jnp.dot(s, w1_ref[...].T, preferred_element_type=jnp.float32), 0.0)
    raw = jnp.dot(h, w2_ref[...].T, preferred_element_type=jnp.float32)
    raw_ref[rs, :] = raw
    bounded = jnp.tanh(raw)
    b_ref[rs, :] = bounded

    k = k_ref[rs, :]

    rmax = jnp.max(raw, axis=1, keepdims=True)
    rmin = jnp.min(raw, axis=1, keepdims=True)
    n_varying = jnp.sum((rmax != rmin).astype(jnp.int32))

    @pl.when(n_varying == 0)
    def _fast():
        cols = jax.lax.broadcasted_iota(jnp.int32, (bb, c), 1)
        m_ref[rs, :] = (cols < k).astype(jnp.float32)

    @pl.when(n_varying != 0)
    def _general():
        m_ref[rs, :] = _topk_mask_general(raw, k)

    mask = m_ref[rs, :]
    gate = bounded + (mask - bounded)
    o_ref[...] = (x * gate[:, :, None]).reshape(bb * c, p)


def kernel(x, dct_weight, W1, W2, k_tensor):
    b, c, dh, dw = x.shape
    p = dh * dw
    hid = W1.shape[0]
    x2 = x.reshape(b * c, p)
    dct2 = dct_weight.reshape(c, p)
    k2d = k_tensor.reshape(b, 1)

    bb = 8
    grid = (b // bb,)
    f = jnp.float32
    full_bc = pl.BlockSpec((b, c), lambda i: (0, 0))

    out3, bounded, raw, mask, s = pl.pallas_call(
        _fused_body,
        grid=grid,
        in_specs=[
            pl.BlockSpec((bb * c, p), lambda i: (i, 0)),
            pl.BlockSpec((c, p), lambda i: (0, 0)),
            pl.BlockSpec((hid, c), lambda i: (0, 0)),
            pl.BlockSpec((c, hid), lambda i: (0, 0)),
            pl.BlockSpec((b, 1), lambda i: (0, 0)),
        ],
        out_specs=(
            pl.BlockSpec((bb * c, p), lambda i: (i, 0)),
            full_bc, full_bc, full_bc, full_bc,
        ),
        out_shape=(
            jax.ShapeDtypeStruct((b * c, p), f),
            jax.ShapeDtypeStruct((b, c), f),
            jax.ShapeDtypeStruct((b, c), f),
            jax.ShapeDtypeStruct((b, c), f),
            jax.ShapeDtypeStruct((b, c), f),
        ),
        compiler_params=pltpu.CompilerParams(
            dimension_semantics=("arbitrary",),
            vmem_limit_bytes=120 * 1024 * 1024),
    )(x2, dct2, W1, W2, k2d)

    return (out3.reshape(b, c, dh, dw), bounded, raw, mask, s)

# --- scband reference (transcript-rebuilt; emitter-appended) ---
"""Pipeline reference for scband-fca-se-gating-module-70007966925068 (READ-ONLY COPY).

The authoritative reference and input builder live on the scoring server;
editing this copy changes nothing except your own understanding.
"""

import jax, jax.numpy as jnp
import numpy as np
import math

B, C, DH, DW = 256, 768, 16, 16
RED = 4

_ALL_TOP_X = [0,0,6,0,0,1,1,4,5,1,3,0,0,0,3,2,4,6,3,5,5,2,6,5,5,3,3,4,2,2,6,1]
_ALL_TOP_Y = [0,1,0,5,2,0,2,0,0,6,0,4,6,3,2,5,6,3,3,3,5,1,1,2,4,2,1,1,3,0,5,3]


def _build_filter(pos, freq, POS):
    r = math.cos(math.pi * freq * (pos + 0.5) / POS) / math.sqrt(POS)
    return r if freq == 0 else r * math.sqrt(2)


def _dct_filter(h, w, mx, my, channel):
    f = np.zeros((channel, h, w), dtype=np.float32)
    c_part = channel // len(mx)
    for i, (u, v) in enumerate(zip(mx, my)):
        for tx in range(h):
            for ty in range(w):
                f[i * c_part:(i + 1) * c_part, tx, ty] = _build_filter(tx, u, h) * _build_filter(ty, v, w)
    return f


def setup_inputs(seed: int = 0) -> dict:
    key = jax.random.key(seed)
    k1, k2, k3 = jax.random.split(key, 3)
    x = jax.random.normal(k1, (B, C, DH, DW), dtype=jnp.float32)
    k_tensor = jax.random.randint(k2, (B,), 0, C, dtype=jnp.int32)
    mx = [int(v * (DH / 7)) for v in _ALL_TOP_X[:16]]
    my = [int(v * (DW / 7)) for v in _ALL_TOP_Y[:16]]
    dct_weight = jnp.asarray(_dct_filter(DH, DW, mx, my, C))
    hid = max(1, C // RED)
    W1 = jax.random.normal(k3, (hid, C), dtype=jnp.float32) * math.sqrt(2.0 / C)
    W2 = jnp.full((C, hid), 0.1, dtype=jnp.float32)
    return {"x": x, "dct_weight": dct_weight, "W1": W1, "W2": W2, "k_tensor": k_tensor}


def reference(x, dct_weight, W1, W2, k_tensor):
    b, c = x.shape[0], x.shape[1]
    # MultiSpectralDCTLayer: elementwise multiply by DCT basis, sum over spatial dims
    s = jnp.sum(x * dct_weight[None, :, :, :], axis=(2, 3))
    # excitation MLP (Linear -> ReLU -> Linear, no bias)
    h = jax.nn.relu(s @ W1.T)
    raw = h @ W2.T
    bounded = jnp.tanh(raw)
    # descending argsort over channel dim
    idx = jnp.argsort(-raw, axis=1)
    cols = jnp.arange(c)[None, :]
    cmp = (k_tensor[:, None] > cols).astype(jnp.float32)
    rows = jnp.arange(b)[:, None]
    # mask.scatter_(1, idx, cmp)
    mask = jnp.zeros_like(raw).at[rows, idx].set(cmp)
    # STE: continuous_proxy + (binary_mask - continuous_proxy).detach()
    gate = bounded + jax.lax.stop_gradient(mask - bounded)
    out = x * gate[:, :, None, None]
    return (out, bounded, raw, mask, s)

if __name__ == "__main__":
    import jax
    _d = setup_inputs()
    print(jax.jit(kernel)(*tuple(_d.values())))

</pallas_src>

<mosaic_0001>
module attributes {stable_mosaic.version = 14 : i64} {
  func.func @_fused_body(%arg0: i32, %arg1: memref<6144x256xf32, #tpu.memory_space<vmem>>, %arg2: memref<768x256xf32, #tpu.memory_space<vmem>>, %arg3: memref<192x768xf32, #tpu.memory_space<vmem>>, %arg4: memref<768x192xf32, #tpu.memory_space<vmem>>, %arg5: memref<256x1xi32, #tpu.memory_space<vmem>>, %arg6: memref<6144x256xf32, #tpu.memory_space<vmem>>, %arg7: memref<256x768xf32, #tpu.memory_space<vmem>>, %arg8: memref<256x768xf32, #tpu.memory_space<vmem>>, %arg9: memref<256x768xf32, #tpu.memory_space<vmem>>, %arg10: memref<256x768xf32, #tpu.memory_space<vmem>>) attributes {dimension_semantics = [#tpu.dimension_semantics<arbitrary>], iteration_bounds = array<i64: 32>, scalar_prefetch = 0 : i64, scratch_operands = 0 : i64, tpu.core_type = #tpu.core_type<tc>, window_params = [{transform_indices = @transform_0, window_bounds = array<i64: 6144, 256>}, {pipeline_mode = #tpu.pipeline_mode<synchronous>, transform_indices = @transform_1, window_bounds = array<i64: 768, 256>}, {pipeline_mode = #tpu.pipeline_mode<synchronous>, transform_indices = @transform_2, window_bounds = array<i64: 192, 768>}, {pipeline_mode = #tpu.pipeline_mode<synchronous>, transform_indices = @transform_3, window_bounds = array<i64: 768, 192>}, {pipeline_mode = #tpu.pipeline_mode<synchronous>, transform_indices = @transform_4, window_bounds = array<i64: 256, 1>}, {transform_indices = @transform_5, window_bounds = array<i64: 6144, 256>}, {pipeline_mode = #tpu.pipeline_mode<synchronous>, transform_indices = @transform_6, window_bounds = array<i64: 256, 768>}, {pipeline_mode = #tpu.pipeline_mode<synchronous>, transform_indices = @transform_7, window_bounds = array<i64: 256, 768>}, {pipeline_mode = #tpu.pipeline_mode<synchronous>, transform_indices = @transform_8, window_bounds = array<i64: 256, 768>}, {pipeline_mode = #tpu.pipeline_mode<synchronous>, transform_indices = @transform_9, window_bounds = array<i64: 256, 768>}]} {
    %mul3A = arith.constant 8 : i32
    %mul3A_0 = arith.muli %arg0, %mul3A : i32
    %get3A = arith.constant 0 : index
    %get3A_1 = arith.constant 0 : index
    %get3A_2 = vector.load %arg1[%get3A, %get3A_1] : memref<6144x256xf32, #tpu.memory_space<vmem>>, vector<6144x256xf32>
    %reshape3A = vector.shape_cast %get3A_2 : vector<6144x256xf32> to vector<8x768x256xf32>
    %get3A_3 = arith.constant 0 : index
    %get3A_4 = arith.constant 0 : index
    %get3A_5 = vector.load %arg2[%get3A_3, %get3A_4] : memref<768x256xf32, #tpu.memory_space<vmem>>, vector<768x256xf32>
    %broadcast_in_dim3A = vector.shape_cast %get3A_5 : vector<768x256xf32> to vector<1x768x256xf32>
    %mul3A_6 = vector.broadcast %broadcast_in_dim3A : vector<1x768x256xf32> to vector<8x768x256xf32>
    %mul3A_7 = arith.mulf %reshape3A, %mul3A_6 : vector<8x768x256xf32>
    %reduce_sum3A = arith.constant dense<0.000000e+00> : vector<8x768xf32>
    %reduce_sum3A_8 = vector.multi_reduction <add>, %mul3A_7, %reduce_sum3A [2] : vector<8x768x256xf32> to vector<8x768xf32>
    %swap3A = arith.index_cast %mul3A_0 : i32 to index
    %swap3A_9 = arith.constant 0 : index
    %swap3A_10 = vector.load %arg10[%swap3A, %swap3A_9] : memref<256x768xf32, #tpu.memory_space<vmem>>, vector<8x768xf32>
    tpu.vector_store %arg10[%swap3A, %swap3A_9], %reduce_sum3A_8 {strides = array<i32>} : memref<256x768xf32, #tpu.memory_space<vmem>>, vector<8x768xf32>,
    %get3A_11 = arith.constant 0 : index
    %get3A_12 = arith.constant 0 : index
    %get3A_13 = vector.load %arg3[%get3A_11, %get3A_12] : memref<192x768xf32, #tpu.memory_space<vmem>>, vector<192x768xf32>
    %transpose3A = tpu.transpose %get3A_13, [1, 0] : vector<192x768xf32> -> vector<768x192xf32>
    %dot_general3A = arith.constant dense<0.000000e+00> : vector<8x192xf32>
    %dot_general3A_14 = tpu.matmul %reduce_sum3A_8, %transpose3A, %dot_general3A {dimension_numbers = #tpu.dot_dimension_numbers<[1], [0], [0], [1], [0, 0, 1, 1], [], []>, transpose_lhs_hint = false} : vector<8x768xf32>, vector<768x192xf32>, vector<8x192xf32> -> vector<8x192xf32>
    %max3A = arith.constant 0.000000e+00 : f32
    %max3A_15 = vector.broadcast %max3A : f32 to vector<8x192xf32>
    %max3A_16 = arith.maximumf %dot_general3A_14, %max3A_15 : vector<8x192xf32>
    %get3A_17 = arith.constant 0 : index
    %get3A_18 = arith.constant 0 : index
    %get3A_19 = vector.load %arg4[%get3A_17, %get3A_18] : memref<768x192xf32, #tpu.memory_space<vmem>>, vector<768x192xf32>
    %transpose3A_20 = tpu.transpose %get3A_19, [1, 0] : vector<768x192xf32> -> vector<192x768xf32>
    %dot_general3A_21 = arith.constant dense<0.000000e+00> : vector<8x768xf32>
    %dot_general3A_22 = tpu.matmul %max3A_16, %transpose3A_20, %dot_general3A_21 {dimension_numbers = #tpu.dot_dimension_numbers<[1], [0], [0], [1], [0, 0, 1, 1], [], []>, transpose_lhs_hint = false} : vector<8x192xf32>, vector<192x768xf32>, vector<8x768xf32> -> vector<8x768xf32>
    %swap3A_23 = arith.index_cast %mul3A_0 : i32 to index
    %swap3A_24 = arith.constant 0 : index
    %swap3A_25 = vector.load %arg8[%swap3A_23, %swap3A_24] : memref<256x768xf32, #tpu.memory_space<vmem>>, vector<8x768xf32>
    tpu.vector_store %arg8[%swap3A_23, %swap3A_24], %dot_general3A_22 {strides = array<i32>} : memref<256x768xf32, #tpu.memory_space<vmem>>, vector<8x768xf32>,
    %tanh3A = math.tanh %dot_general3A_22 : vector<8x768xf32>
    %swap3A_26 = arith.index_cast %mul3A_0 : i32 to index
    %swap3A_27 = arith.constant 0 : index
    %swap3A_28 = vector.load %arg7[%swap3A_26, %swap3A_27] : memref<256x768xf32, #tpu.memory_space<vmem>>, vector<8x768xf32>
    tpu.vector_store %arg7[%swap3A_26, %swap3A_27], %tanh3A {strides = array<i32>} : memref<256x768xf32, #tpu.memory_space<vmem>>, vector<8x768xf32>,
    %get3A_29 = arith.index_cast %mul3A_0 : i32 to index
    %get3A_30 = arith.constant 0 : index
    %get3A_31 = vector.load %arg5[%get3A_29, %get3A_30] : memref<256x1xi32, #tpu.memory_space<vmem>>, vector<8x1xi32>
    %reduce_max3A = arith.constant dense<0xFF800000> : vector<8xf32>
    %reduce_max3A_32 = vector.multi_reduction <maximumf>, %dot_general3A_22, %reduce_max3A [1] : vector<8x768xf32> to vector<8xf32>
    %broadcast_in_dim3A_33 = vector.shape_cast %reduce_max3A_32 : vector<8xf32> to vector<8x1xf32>
    %reduce_min3A = arith.constant dense<0x7F800000> : vector<8xf32>
    %reduce_min3A_34 = vector.multi_reduction <minimumf>, %dot_general3A_22, %reduce_min3A [1] : vector<8x768xf32> to vector<8xf32>
    %broadcast_in_dim3A_35 = vector.shape_cast %reduce_min3A_34 : vector<8xf32> to vector<8x1xf32>
    %ne3A = arith.cmpf one, %broadcast_in_dim3A_33, %broadcast_in_dim3A_35 : vector<8x1xf32>
    %convert_element_type3A = arith.extui %ne3A : vector<8x1xi1> to vector<8x1xi32>
    %reduce_sum3A_36 = vector.shape_cast %convert_element_type3A : vector<8x1xi32> to vector<1x8x1xi32>
    %reduce_sum3A_37 = arith.constant dense<0> : vector<1xi32>
    %reduce_sum3A_38 = vector.multi_reduction <add>, %reduce_sum3A_36, %reduce_sum3A_37 [1, 2] : vector<1x8x1xi32> to vector<1xi32>
    %reduce_sum3A_39 = vector.shape_cast %reduce_sum3A_38 : vector<1xi32> to vector<1x1x1xi32>
    %reduce_sum3A_40 = vector.extract %reduce_sum3A_39[0, 0, 0] : i32 from vector<1x1x1xi32>
    %eq3A = arith.constant 0 : i32
    %eq3A_41 = arith.cmpi eq, %reduce_sum3A_40, %eq3A : i32
    %convert_element_type3A_42 = arith.extui %eq3A_41 : i1 to i32
    %cond3A = arith.constant 0 : i32
    %cond3A_43 = arith.cmpi ne, %convert_element_type3A_42, %cond3A : i32
    scf.if %cond3A_43 {
      %iota3A = tpu.iota {dimensions = array<i32: 1>} : vector<8x768xi32>
      %lt3A = vector.broadcast %get3A_31 : vector<8x1xi32> to vector<8x768xi32>
      %lt3A_59 = arith.cmpi slt, %iota3A, %lt3A : vector<8x768xi32>
      %convert_element_type3A_60 = arith.extui %lt3A_59 : vector<8x768xi1> to vector<8x768xi32>
      %convert_element_type3A_61 = arith.sitofp %convert_element_type3A_60 : vector<8x768xi32> to vector<8x768xf32>
      %swap3A_62 = arith.index_cast %mul3A_0 : i32 to index
      %swap3A_63 = arith.constant 0 : index
      %swap3A_64 = vector.load %arg9[%swap3A_62, %swap3A_63] : memref<256x768xf32, #tpu.memory_space<vmem>>, vector<8x768xf32>
      tpu.vector_store %arg9[%swap3A_62, %swap3A_63], %convert_element_type3A_61 {strides = array<i32>} : memref<256x768xf32, #tpu.memory_space<vmem>>, vector<8x768xf32>,
    } else {
    }
    %ne3A_44 = arith.constant 0 : i32
    %ne3A_45 = arith.cmpi ne, %reduce_sum3A_40, %ne3A_44 : i32
    %convert_element_type3A_46 = arith.extui %ne3A_45 : i1 to i32
    %cond3A_47 = arith.constant 0 : i32
    %cond3A_48 = arith.cmpi ne, %convert_element_type3A_46, %cond3A_47 : i32
    scf.if %cond3A_48 {
      %add3A_59 = arith.constant 0.000000e+00 : f32
      %add3A_60 = vector.broadcast %add3A_59 : f32 to vector<8x768xf32>
      %add3A_61 = arith.addf %dot_general3A_22, %add3A_60 : vector<8x768xf32>
      %bitcast_convert_type3A = tpu.bitcast %add3A_61 : vector<8x768xf32> -> vector<8x768xi32>
      %shift_right_arithmetic3A = arith.constant 31 : i32
      %shift_right_arithmetic3A_62 = vector.broadcast %shift_right_arithmetic3A : i32 to vector<8x768xi32>
      %shift_right_arithmetic3A_63 = arith.shrsi %bitcast_convert_type3A, %shift_right_arithmetic3A_62 : vector<8x768xi32>
      %and3A = arith.constant 2147483647 : i32
      %and3A_64 = vector.broadcast %and3A : i32 to vector<8x768xi32>
      %and3A_65 = arith.andi %shift_right_arithmetic3A_63, %and3A_64 : vector<8x768xi32>
      %xor3A = arith.xori %bitcast_convert_type3A, %and3A_65 : vector<8x768xi32>
      %ge3A = arith.constant 0 : i32
      %ge3A_66 = vector.broadcast %ge3A : i32 to vector<8x768xi32>
      %ge3A_67 = arith.cmpi sge, %xor3A, %ge3A_66 : vector<8x768xi32>
      %convert_element_type3A_68 = arith.extui %ge3A_67 : vector<8x768xi1> to vector<8x768xi32>
      %reduce_sum3A_69 = arith.constant dense<0> : vector<8xi32>
      %reduce_sum3A_70 = vector.multi_reduction <add>, %convert_element_type3A_68, %reduce_sum3A_69 [1] : vector<8x768xi32> to vector<8xi32>
      %broadcast_in_dim3A_71 = vector.shape_cast %reduce_sum3A_70 : vector<8xi32> to vector<8x1xi32>
      %ge3A_72 = arith.cmpi sge, %broadcast_in_dim3A_71, %get3A_31 : vector<8x1xi32>
      %jit3A = arith.constant 0 : i32
      %jit3A_73 = arith.constant -2147483648 : i32
      %broadcast_in_dim3A_74 = vector.broadcast %jit3A : i32 to vector<8x1xi32>
      %broadcast_in_dim3A_75 = vector.broadcast %jit3A_73 : i32 to vector<8x1xi32>
      %select_n3A = arith.select %ge3A_72, %broadcast_in_dim3A_74, %broadcast_in_dim3A_75 : vector<8x1xi1>, vector<8x1xi32>
      %add3A_76 = arith.constant 1073741824 : i32
      %add3A_77 = vector.broadcast %add3A_76 : i32 to vector<8x1xi32>
      %add3A_78 = arith.addi %select_n3A, %add3A_77 : vector<8x1xi32>
      %ge3A_79 = vector.broadcast %add3A_78 : vector<8x1xi32> to vector<8x768xi32>
      %ge3A_80 = arith.cmpi sge, %xor3A, %ge3A_79 : vector<8x768xi32>
      %convert_element_type3A_81 = arith.extui %ge3A_80 : vector<8x768xi1> to vector<8x768xi32>
      %reduce_sum3A_82 = arith.constant dense<0> : vector<8xi32>
      %reduce_sum3A_83 = vector.multi_reduction <add>, %convert_element_type3A_81, %reduce_sum3A_82 [1] : vector<8x768xi32> to vector<8xi32>
      %broadcast_in_dim3A_84 = vector.shape_cast %reduce_sum3A_83 : vector<8xi32> to vector<8x1xi32>
      %ge3A_85 = arith.cmpi sge, %broadcast_in_dim3A_84, %get3A_31 : vector<8x1xi32>
      %select_n3A_86 = arith.select %ge3A_85, %add3A_78, %select_n3A : vector<8x1xi1>, vector<8x1xi32>
      %add3A_87 = arith.constant 536870912 : i32
      %add3A_88 = vector.broadcast %add3A_87 : i32 to vector<8x1xi32>
      %add3A_89 = arith.addi %select_n3A_86, %add3A_88 : vector<8x1xi32>
      %ge3A_90 = vector.broadcast %add3A_89 : vector<8x1xi32> to vector<8x768xi32>
      %ge3A_91 = arith.cmpi sge, %xor3A, %ge3A_90 : vector<8x768xi32>
      %convert_element_type3A_92 = arith.extui %ge3A_91 : vector<8x768xi1> to vector<8x768xi32>
      %reduce_sum3A_93 = arith.constant dense<0> : vector<8xi32>
      %reduce_sum3A_94 = vector.multi_reduction <add>, %convert_element_type3A_92, %reduce_sum3A_93 [1] : vector<8x768xi32> to vector<8xi32>
      %broadcast_in_dim3A_95 = vector.shape_cast %reduce_sum3A_94 : vector<8xi32> to vector<8x1xi32>
      %ge3A_96 = arith.cmpi sge, %broadcast_in_dim3A_95, %get3A_31 : vector<8x1xi32>
      %select_n3A_97 = arith.select %ge3A_96, %add3A_89, %select_n3A_86 : vector<8x1xi1>, vector<8x1xi32>
      %add3A_98 = arith.constant 268435456 : i32
      %add3A_99 = vector.broadcast %add3A_98 : i32 to vector<8x1xi32>
      %add3A_100 = arith.addi %select_n3A_97, %add3A_99 : vector<8x1xi32>
      %ge3A_101 = vector.broadcast %add3A_100 : vector<8x1xi32> to vector<8x768xi32>
      %ge3A_102 = arith.cmpi sge, %xor3A, %ge3A_101 : vector<8x768xi32>
      %convert_element_type3A_103 = arith.extui %ge3A_102 : vector<8x768xi1> to vector<8x768xi32>
      %reduce_sum3A_104 = arith.constant dense<0> : vector<8xi32>
      %reduce_sum3A_105 = vector.multi_reduction <add>, %convert_element_type3A_103, %reduce_sum3A_104 [1] : vector<8x768xi32> to vector<8xi32>
      %broadcast_in_dim3A_106 = vector.shape_cast %reduce_sum3A_105 : vector<8xi32> to vector<8x1xi32>
      %ge3A_107 = arith.cmpi sge, %broadcast_in_dim3A_106, %get3A_31 : vector<8x1xi32>
      %select_n3A_108 = arith.select %ge3A_107, %add3A_100, %select_n3A_97 : vector<8x1xi1>, vector<8x1xi32>
      %add3A_109 = arith.constant 134217728 : i32
      %add3A_110 = vector.broadcast %add3A_109 : i32 to vector<8x1xi32>
      %add3A_111 = arith.addi %select_n3A_108, %add3A_110 : vector<8x1xi32>
      %ge3A_112 = vector.broadcast %add3A_111 : vector<8x1xi32> to vector<8x768xi32>
      %ge3A_113 = arith.cmpi sge, %xor3A, %ge3A_112 : vector<8x768xi32>
      %convert_element_type3A_114 = arith.extui %ge3A_113 : vector<8x768xi1> to vector<8x768xi32>
      %reduce_sum3A_115 = arith.constant dense<0> : vector<8xi32>
      %reduce_sum3A_116 = vector.multi_reduction <add>, %convert_element_type3A_114, %reduce_sum3A_115 [1] : vector<8x768xi32> to vector<8xi32>
      %broadcast_in_dim3A_117 = vector.shape_cast %reduce_sum3A_116 : vector<8xi32> to vector<8x1xi32>
      %ge3A_118 = arith.cmpi sge, %broadcast_in_dim3A_117, %get3A_31 : vector<8x1xi32>
      %select_n3A_119 = arith.select %ge3A_118, %add3A_111, %select_n3A_108 : vector<8x1xi1>, vector<8x1xi32>
      %add3A_120 = arith.constant 67108864 : i32
      %add3A_121 = vector.broadcast %add3A_120 : i32 to vector<8x1xi32>
      %add3A_122 = arith.addi %select_n3A_119, %add3A_121 : vector<8x1xi32>
      %ge3A_123 = vector.broadcast %add3A_122 : vector<8x1xi32> to vector<8x768xi32>
      %ge3A_124 = arith.cmpi sge, %xor3A, %ge3A_123 : vector<8x768xi32>
      %convert_element_type3A_125 = arith.extui %ge3A_124 : vector<8x768xi1> to vector<8x768xi32>
      %reduce_sum3A_126 = arith.constant dense<0> : vector<8xi32>
      %reduce_sum3A_127 = vector.multi_reduction <add>, %convert_element_type3A_125, %reduce_sum3A_126 [1] : vector<8x768xi32> to vector<8xi32>
      %broadcast_in_dim3A_128 = vector.shape_cast %reduce_sum3A_127 : vector<8xi32> to vector<8x1xi32>
      %ge3A_129 = arith.cmpi sge, %broadcast_in_dim3A_128, %get3A_31 : vector<8x1xi32>
      %select_n3A_130 = arith.select %ge3A_129, %add3A_122, %select_n3A_119 : vector<8x1xi1>, vector<8x1xi32>
      %add3A_131 = arith.constant 33554432 : i32
      %add3A_132 = vector.broadcast %add3A_131 : i32 to vector<8x1xi32>
      %add3A_133 = arith.addi %select_n3A_130, %add3A_132 : vector<8x1xi32>
      %ge3A_134 = vector.broadcast %add3A_133 : vector<8x1xi32> to vector<8x768xi32>
      %ge3A_135 = arith.cmpi sge, %xor3A, %ge3A_134 : vector<8x768xi32>
      %convert_element_type3A_136 = arith.extui %ge3A_135 : vector<8x768xi1> to vector<8x768xi32>
      %reduce_sum3A_137 = arith.constant dense<0> : vector<8xi32>
      %reduce_sum3A_138 = vector.multi_reduction <add>, %convert_element_type3A_136, %reduce_sum3A_137 [1] : vector<8x768xi32> to vector<8xi32>
      %broadcast_in_dim3A_139 = vector.shape_cast %reduce_sum3A_138 : vector<8xi32> to vector<8x1xi32>
      %ge3A_140 = arith.cmpi sge, %broadcast_in_dim3A_139, %get3A_31 : vector<8x1xi32>
      %select_n3A_141 = arith.select %ge3A_140, %add3A_133, %select_n3A_130 : vector<8x1xi1>, vector<8x1xi32>
      %add3A_142 = arith.constant 16777216 : i32
      %add3A_143 = vector.broadcast %add3A_142 : i32 to vector<8x1xi32>
      %add3A_144 = arith.addi %select_n3A_141, %add3A_143 : vector<8x1xi32>
      %ge3A_145 = vector.broadcast %add3A_144 : vector<8x1xi32> to vector<8x768xi32>
      %ge3A_146 = arith.cmpi sge, %xor3A, %ge3A_145 : vector<8x768xi32>
      %convert_element_type3A_147 = arith.extui %ge3A_146 : vector<8x768xi1> to vector<8x768xi32>
      %reduce_sum3A_148 = arith.constant dense<0> : vector<8xi32>
      %reduce_sum3A_149 = vector.multi_reduction <add>, %convert_element_type3A_147, %reduce_sum3A_148 [1] : vector<8x768xi32> to vector<8xi32>
      %broadcast_in_dim3A_150 = vector.shape_cast %reduce_sum3A_149 : vector<8xi32> to vector<8x1xi32>
      %ge3A_151 = arith.cmpi sge, %broadcast_in_dim3A_150, %get3A_31 : vector<8x1xi32>
      %select_n3A_152 = arith.select %ge3A_151, %add3A_144, %select_n3A_141 : vector<8x1xi1>, vector<8x1xi32>
      %add3A_153 = arith.constant 8388608 : i32
      %add3A_154 = vector.broadcast %add3A_153 : i32 to vector<8x1xi32>
      %add3A_155 = arith.addi %select_n3A_152, %add3A_154 : vector<8x1xi32>
      %ge3A_156 = vector.broadcast %add3A_155 : vector<8x1xi32> to vector<8x768xi32>
      %ge3A_157 = arith.cmpi sge, %xor3A, %ge3A_156 : vector<8x768xi32>
      %convert_element_type3A_158 = arith.extui %ge3A_157 : vector<8x768xi1> to vector<8x768xi32>
      %reduce_sum3A_159 = arith.constant dense<0> : vector<8xi32>
      %reduce_sum3A_160 = vector.multi_reduction <add>, %convert_element_type3A_158, %reduce_sum3A_159 [1] : vector<8x768xi32> to vector<8xi32>
      %broadcast_in_dim3A_161 = vector.shape_cast %reduce_sum3A_160 : vector<8xi32> to vector<8x1xi32>
      %ge3A_162 = arith.cmpi sge, %broadcast_in_dim3A_161, %get3A_31 : vector<8x1xi32>
      %select_n3A_163 = arith.select %ge3A_162, %add3A_155, %select_n3A_152 : vector<8x1xi1>, vector<8x1xi32>
      %add3A_164 = arith.constant 4194304 : i32
      %add3A_165 = vector.broadcast %add3A_164 : i32 to vector<8x1xi32>
      %add3A_166 = arith.addi %select_n3A_163, %add3A_165 : vector<8x1xi32>
      %ge3A_167 = vector.broadcast %add3A_166 : vector<8x1xi32> to vector<8x768xi32>
      %ge3A_168 = arith.cmpi sge, %xor3A, %ge3A_167 : vector<8x768xi32>
      %convert_element_type3A_169 = arith.extui %ge3A_168 : vector<8x768xi1> to vector<8x768xi32>
      %reduce_sum3A_170 = arith.constant dense<0> : vector<8xi32>
      %reduce_sum3A_171 = vector.multi_reduction <add>, %convert_element_type3A_169, %reduce_sum3A_170 [1] : vector<8x768xi32> to vector<8xi32>
      %broadcast_in_dim3A_172 = vector.shape_cast %reduce_sum3A_171 : vector<8xi32> to vector<8x1xi32>
      %ge3A_173 = arith.cmpi sge, %broadcast_in_dim3A_172, %get3A_31 : vector<8x1xi32>
      %select_n3A_174 = arith.select %ge3A_173, %add3A_166, %select_n3A_163 : vector<8x1xi1>, vector<8x1xi32>
      %add3A_175 = arith.constant 2097152 : i32
      %add3A_176 = vector.broadcast %add3A_175 : i32 to vector<8x1xi32>
      %add3A_177 = arith.addi %select_n3A_174, %add3A_176 : vector<8x1xi32>
      %ge3A_178 = vector.broadcast %add3A_177 : vector<8x1xi32> to vector<8x768xi32>
      %ge3A_179 = arith.cmpi sge, %xor3A, %ge3A_178 : vector<8x768xi32>
      %convert_element_type3A_180 = arith.extui %ge3A_179 : vector<8x768xi1> to vector<8x768xi32>
      %reduce_sum3A_181 = arith.constant dense<0> : vector<8xi32>
      %reduce_sum3A_182 = vector.multi_reduction <add>, %convert_element_type3A_180, %reduce_sum3A_181 [1] : vector<8x768xi32> to vector<8xi32>
      %broadcast_in_dim3A_183 = vector.shape_cast %reduce_sum3A_182 : vector<8xi32> to vector<8x1xi32>
      %ge3A_184 = arith.cmpi sge, %broadcast_in_dim3A_183, %get3A_31 : vector<8x1xi32>
      %select_n3A_185 = arith.select %ge3A_184, %add3A_177, %select_n3A_174 : vector<8x1xi1>, vector<8x1xi32>
      %add3A_186 = arith.constant 1048576 : i32
      %add3A_187 = vector.broadcast %add3A_186 : i32 to vector<8x1xi32>
      %add3A_188 = arith.addi %select_n3A_185, %add3A_187 : vector<8x1xi32>
      %ge3A_189 = vector.broadcast %add3A_188 : vector<8x1xi32> to vector<8x768xi32>
      %ge3A_190 = arith.cmpi sge, %xor3A, %ge3A_189 : vector<8x768xi32>
      %convert_element_type3A_191 = arith.extui %ge3A_190 : vector<8x768xi1> to vector<8x768xi32>
      %reduce_sum3A_192 = arith.constant dense<0> : vector<8xi32>
      %reduce_sum3A_193 = vector.multi_reduction <add>, %convert_element_type3A_191, %reduce_sum3A_192 [1] : vector<8x768xi32> to vector<8xi32>
      %broadcast_in_dim3A_194 = vector.shape_cast %reduce_sum3A_193 : vector<8xi32> to vector<8x1xi32>
      %ge3A_195 = arith.cmpi sge, %broadcast_in_dim3A_194, %get3A_31 : vector<8x1xi32>
      %select_n3A_196 = arith.select %ge3A_195, %add3A_188, %select_n3A_185 : vector<8x1xi1>, vector<8x1xi32>
      %add3A_197 = arith.constant 524288 : i32
      %add3A_198 = vector.broadcast %add3A_197 : i32 to vector<8x1xi32>
      %add3A_199 = arith.addi %select_n3A_196, %add3A_198 : vector<8x1xi32>
      %ge3A_200 = vector.broadcast %add3A_199 : vector<8x1xi32> to vector<8x768xi32>
      %ge3A_201 = arith.cmpi sge, %xor3A, %ge3A_200 : vector<8x768xi32>
      %convert_element_type3A_202 = arith.extui %ge3A_201 : vector<8x768xi1> to vector<8x768xi32>
      %reduce_sum3A_203 = arith.constant dense<0> : vector<8xi32>
      %reduce_sum3A_204 = vector.multi_reduction <add>, %convert_element_type3A_202, %reduce_sum3A_203 [1] : vector<8x768xi32> to vector<8xi32>
      %broadcast_in_dim3A_205 = vector.shape_cast %reduce_sum3A_204 : vector<8xi32> to vector<8x1xi32>
      %ge3A_206 = arith.cmpi sge, %broadcast_in_dim3A_205, %get3A_31 : vector<8x1xi32>
      %select_n3A_207 = arith.select %ge3A_206, %add3A_199, %select_n3A_196 : vector<8x1xi1>, vector<8x1xi32>
      %add3A_208 = arith.constant 262144 : i32
      %add3A_209 = vector.broadcast %add3A_208 : i32 to vector<8x1xi32>
      %add3A_210 = arith.addi %select_n3A_207, %add3A_209 : vector<8x1xi32>
      %ge3A_211 = vector.broadcast %add3A_210 : vector<8x1xi32> to vector<8x768xi32>
      %ge3A_212 = arith.cmpi sge, %xor3A, %ge3A_211 : vector<8x768xi32>
      %convert_element_type3A_213 = arith.extui %ge3A_212 : vector<8x768xi1> to vector<8x768xi32>
      %reduce_sum3A_214 = arith.constant dense<0> : vector<8xi32>
      %reduce_sum3A_215 = vector.multi_reduction <add>, %convert_element_type3A_213, %reduce_sum3A_214 [1] : vector<8x768xi32> to vector<8xi32>
      %broadcast_in_dim3A_216 = vector.shape_cast %reduce_sum3A_215 : vector<8xi32> to vector<8x1xi32>
      %ge3A_217 = arith.cmpi sge, %broadcast_in_dim3A_216, %get3A_31 : vector<8x1xi32>
      %select_n3A_218 = arith.select %ge3A_217, %add3A_210, %select_n3A_207 : vector<8x1xi1>, vector<8x1xi32>
      %add3A_219 = arith.constant 131072 : i32
      %add3A_220 = vector.broadcast %add3A_219 : i32 to vector<8x1xi32>
      %add3A_221 = arith.addi %select_n3A_218, %add3A_220 : vector<8x1xi32>
      %ge3A_222 = vector.broadcast %add3A_221 : vector<8x1xi32> to vector<8x768xi32>
      %ge3A_223 = arith.cmpi sge, %xor3A, %ge3A_222 : vector<8x768xi32>
      %convert_element_type3A_224 = arith.extui %ge3A_223 : vector<8x768xi1> to vector<8x768xi32>
      %reduce_sum3A_225 = arith.constant dense<0> : vector<8xi32>
      %reduce_sum3A_226 = vector.multi_reduction <add>, %convert_element_type3A_224, %reduce_sum3A_225 [1] : vector<8x768xi32> to vector<8xi32>
      %broadcast_in_dim3A_227 = vector.shape_cast %reduce_sum3A_226 : vector<8xi32> to vector<8x1xi32>
      %ge3A_228 = arith.cmpi sge, %broadcast_in_dim3A_227, %get3A_31 : vector<8x1xi32>
      %select_n3A_229 = arith.select %ge3A_228, %add3A_221, %select_n3A_218 : vector<8x1xi1>, vector<8x1xi32>
      %add3A_230 = arith.constant 65536 : i32
      %add3A_231 = vector.broadcast %add3A_230 : i32 to vector<8x1xi32>
      %add3A_232 = arith.addi %select_n3A_229, %add3A_231 : vector<8x1xi32>
      %ge3A_233 = vector.broadcast %add3A_232 : vector<8x1xi32> to vector<8x768xi32>
      %ge3A_234 = arith.cmpi sge, %xor3A, %ge3A_233 : vector<8x768xi32>
      %convert_element_type3A_235 = arith.extui %ge3A_234 : vector<8x768xi1> to vector<8x768xi32>
      %reduce_sum3A_236 = arith.constant dense<0> : vector<8xi32>
      %reduce_sum3A_237 = vector.multi_reduction <add>, %convert_element_type3A_235, %reduce_sum3A_236 [1] : vector<8x768xi32> to vector<8xi32>
      %broadcast_in_dim3A_238 = vector.shape_cast %reduce_sum3A_237 : vector<8xi32> to vector<8x1xi32>
      %ge3A_239 = arith.cmpi sge, %broadcast_in_dim3A_238, %get3A_31 : vector<8x1xi32>
      %select_n3A_240 = arith.select %ge3A_239, %add3A_232, %select_n3A_229 : vector<8x1xi1>, vector<8x1xi32>
      %add3A_241 = arith.constant 32768 : i32
      %add3A_242 = vector.broadcast %add3A_241 : i32 to vector<8x1xi32>
      %add3A_243 = arith.addi %select_n3A_240, %add3A_242 : vector<8x1xi32>
      %ge3A_244 = vector.broadcast %add3A_243 : vector<8x1xi32> to vector<8x768xi32>
      %ge3A_245 = arith.cmpi sge, %xor3A, %ge3A_244 : vector<8x768xi32>
      %convert_element_type3A_246 = arith.extui %ge3A_245 : vector<8x768xi1> to vector<8x768xi32>
      %reduce_sum3A_247 = arith.constant dense<0> : vector<8xi32>
      %reduce_sum3A_248 = vector.multi_reduction <add>, %convert_element_type3A_246, %reduce_sum3A_247 [1] : vector<8x768xi32> to vector<8xi32>
      %broadcast_in_dim3A_249 = vector.shape_cast %reduce_sum3A_248 : vector<8xi32> to vector<8x1xi32>
      %ge3A_250 = arith.cmpi sge, %broadcast_in_dim3A_249, %get3A_31 : vector<8x1xi32>
      %select_n3A_251 = arith.select %ge3A_250, %add3A_243, %select_n3A_240 : vector<8x1xi1>, vector<8x1xi32>
      %add3A_252 = arith.constant 16384 : i32
      %add3A_253 = vector.broadcast %add3A_252 : i32 to vector<8x1xi32>
      %add3A_254 = arith.addi %select_n3A_251, %add3A_253 : vector<8x1xi32>
      %ge3A_255 = vector.broadcast %add3A_254 : vector<8x1xi32> to vector<8x768xi32>
      %ge3A_256 = arith.cmpi sge, %xor3A, %ge3A_255 : vector<8x768xi32>
      %convert_element_type3A_257 = arith.extui %ge3A_256 : vector<8x768xi1> to vector<8x768xi32>
      %reduce_sum3A_258 = arith.constant dense<0> : vector<8xi32>
      %reduce_sum3A_259 = vector.multi_reduction <add>, %convert_element_type3A_257, %reduce_sum3A_258 [1] : vector<8x768xi32> to vector<8xi32>
      %broadcast_in_dim3A_260 = vector.shape_cast %reduce_sum3A_259 : vector<8xi32> to vector<8x1xi32>
      %ge3A_261 = arith.cmpi sge, %broadcast_in_dim3A_260, %get3A_31 : vector<8x1xi32>
      %select_n3A_262 = arith.select %ge3A_261, %add3A_254, %select_n3A_251 : vector<8x1xi1>, vector<8x1xi32>
      %add3A_263 = arith.constant 8192 : i32
      %add3A_264 = vector.broadcast %add3A_263 : i32 to vector<8x1xi32>
      %add3A_265 = arith.addi %select_n3A_262, %add3A_264 : vector<8x1xi32>
      %ge3A_266 = vector.broadcast %add3A_265 : vector<8x1xi32> to vector<8x768xi32>
      %ge3A_267 = arith.cmpi sge, %xor3A, %ge3A_266 : vector<8x768xi32>
      %convert_element_type3A_268 = arith.extui %ge3A_267 : vector<8x768xi1> to vector<8x768xi32>
      %reduce_sum3A_269 = arith.constant dense<0> : vector<8xi32>
      %reduce_sum3A_270 = vector.multi_reduction <add>, %convert_element_type3A_268, %reduce_sum3A_269 [1] : vector<8x768xi32> to vector<8xi32>
      %broadcast_in_dim3A_271 = vector.shape_cast %reduce_sum3A_270 : vector<8xi32> to vector<8x1xi32>
      %ge3A_272 = arith.cmpi sge, %broadcast_in_dim3A_271, %get3A_31 : vector<8x1xi32>
      %select_n3A_273 = arith.select %ge3A_272, %add3A_265, %select_n3A_262 : vector<8x1xi1>, vector<8x1xi32>
      %add3A_274 = arith.constant 4096 : i32
      %add3A_275 = vector.broadcast %add3A_274 : i32 to vector<8x1xi32>
      %add3A_276 = arith.addi %select_n3A_273, %add3A_275 : vector<8x1xi32>
      %ge3A_277 = vector.broadcast %add3A_276 : vector<8x1xi32> to vector<8x768xi32>
      %ge3A_278 = arith.cmpi sge, %xor3A, %ge3A_277 : vector<8x768xi32>
      %convert_element_type3A_279 = arith.extui %ge3A_278 : vector<8x768xi1> to vector<8x768xi32>
      %reduce_sum3A_280 = arith.constant dense<0> : vector<8xi32>
      %reduce_sum3A_281 = vector.multi_reduction <add>, %convert_element_type3A_279, %reduce_sum3A_280 [1] : vector<8x768xi32> to vector<8xi32>
      %broadcast_in_dim3A_282 = vector.shape_cast %reduce_sum3A_281 : vector<8xi32> to vector<8x1xi32>
      %ge3A_283 = arith.cmpi sge, %broadcast_in_dim3A_282, %get3A_31 : vector<8x1xi32>
      %select_n3A_284 = arith.select %ge3A_283, %add3A_276, %select_n3A_273 : vector<8x1xi1>, vector<8x1xi32>
      %add3A_285 = arith.constant 2048 : i32
      %add3A_286 = vector.broadcast %add3A_285 : i32 to vector<8x1xi32>
      %add3A_287 = arith.addi %select_n3A_284, %add3A_286 : vector<8x1xi32>
      %ge3A_288 = vector.broadcast %add3A_287 : vector<8x1xi32> to vector<8x768xi32>
      %ge3A_289 = arith.cmpi sge, %xor3A, %ge3A_288 : vector<8x768xi32>
      %convert_element_type3A_290 = arith.extui %ge3A_289 : vector<8x768xi1> to vector<8x768xi32>
      %reduce_sum3A_291 = arith.constant dense<0> : vector<8xi32>
      %reduce_sum3A_292 = vector.multi_reduction <add>, %convert_element_type3A_290, %reduce_sum3A_291 [1] : vector<8x768xi32> to vector<8xi32>
      %broadcast_in_dim3A_293 = vector.shape_cast %reduce_sum3A_292 : vector<8xi32> to vector<8x1xi32>
      %ge3A_294 = arith.cmpi sge, %broadcast_in_dim3A_293, %get3A_31 : vector<8x1xi32>
      %select_n3A_295 = arith.select %ge3A_294, %add3A_287, %select_n3A_284 : vector<8x1xi1>, vector<8x1xi32>
      %add3A_296 = arith.constant 1024 : i32
      %add3A_297 = vector.broadcast %add3A_296 : i32 to vector<8x1xi32>
      %add3A_298 = arith.addi %select_n3A_295, %add3A_297 : vector<8x1xi32>
      %ge3A_299 = vector.broadcast %add3A_298 : vector<8x1xi32> to vector<8x768xi32>
      %ge3A_300 = arith.cmpi sge, %xor3A, %ge3A_299 : vector<8x768xi32>
      %convert_element_type3A_301 = arith.extui %ge3A_300 : vector<8x768xi1> to vector<8x768xi32>
      %reduce_sum3A_302 = arith.constant dense<0> : vector<8xi32>
      %reduce_sum3A_303 = vector.multi_reduction <add>, %convert_element_type3A_301, %reduce_sum3A_302 [1] : vector<8x768xi32> to vector<8xi32>
      %broadcast_in_dim3A_304 = vector.shape_cast %reduce_sum3A_303 : vector<8xi32> to vector<8x1xi32>
      %ge3A_305 = arith.cmpi sge, %broadcast_in_dim3A_304, %get3A_31 : vector<8x1xi32>
      %select_n3A_306 = arith.select %ge3A_305, %add3A_298, %select_n3A_295 : vector<8x1xi1>, vector<8x1xi32>
      %add3A_307 = arith.constant 512 : i32
      %add3A_308 = vector.broadcast %add3A_307 : i32 to vector<8x1xi32>
      %add3A_309 = arith.addi %select_n3A_306, %add3A_308 : vector<8x1xi32>
      %ge3A_310 = vector.broadcast %add3A_309 : vector<8x1xi32> to vector<8x768xi32>
      %ge3A_311 = arith.cmpi sge, %xor3A, %ge3A_310 : vector<8x768xi32>
      %convert_element_type3A_312 = arith.extui %ge3A_311 : vector<8x768xi1> to vector<8x768xi32>
      %reduce_sum3A_313 = arith.constant dense<0> : vector<8xi32>
      %reduce_sum3A_314 = vector.multi_reduction <add>, %convert_element_type3A_312, %reduce_sum3A_313 [1] : vector<8x768xi32> to vector<8xi32>
      %broadcast_in_dim3A_315 = vector.shape_cast %reduce_sum3A_314 : vector<8xi32> to vector<8x1xi32>
      %ge3A_316 = arith.cmpi sge, %broadcast_in_dim3A_315, %get3A_31 : vector<8x1xi32>
      %select_n3A_317 = arith.select %ge3A_316, %add3A_309, %select_n3A_306 : vector<8x1xi1>, vector<8x1xi32>
      %add3A_318 = arith.constant 256 : i32
      %add3A_319 = vector.broadcast %add3A_318 : i32 to vector<8x1xi32>
      %add3A_320 = arith.addi %select_n3A_317, %add3A_319 : vector<8x1xi32>
      %ge3A_321 = vector.broadcast %add3A_320 : vector<8x1xi32> to vector<8x768xi32>
      %ge3A_322 = arith.cmpi sge, %xor3A, %ge3A_321 : vector<8x768xi32>
      %convert_element_type3A_323 = arith.extui %ge3A_322 : vector<8x768xi1> to vector<8x768xi32>
      %reduce_sum3A_324 = arith.constant dense<0> : vector<8xi32>
      %reduce_sum3A_325 = vector.multi_reduction <add>, %convert_element_type3A_323, %reduce_sum3A_324 [1] : vector<8x768xi32> to vector<8xi32>
      %broadcast_in_dim3A_326 = vector.shape_cast %reduce_sum3A_325 : vector<8xi32> to vector<8x1xi32>
      %ge3A_327 = arith.cmpi sge, %broadcast_in_dim3A_326, %get3A_31 : vector<8x1xi32>
      %select_n3A_328 = arith.select %ge3A_327, %add3A_320, %select_n3A_317 : vector<8x1xi1>, vector<8x1xi32>
      %add3A_329 = arith.constant 128 : i32
      %add3A_330 = vector.broadcast %add3A_329 : i32 to vector<8x1xi32>
      %add3A_331 = arith.addi %select_n3A_328, %add3A_330 : vector<8x1xi32>
      %ge3A_332 = vector.broadcast %add3A_331 : vector<8x1xi32> to vector<8x768xi32>
      %ge3A_333 = arith.cmpi sge, %xor3A, %ge3A_332 : vector<8x768xi32>
      %convert_element_type3A_334 = arith.extui %ge3A_333 : vector<8x768xi1> to vector<8x768xi32>
      %reduce_sum3A_335 = arith.constant dense<0> : vector<8xi32>
      %reduce_sum3A_336 = vector.multi_reduction <add>, %convert_element_type3A_334, %reduce_sum3A_335 [1] : vector<8x768xi32> to vector<8xi32>
      %broadcast_in_dim3A_337 = vector.shape_cast %reduce_sum3A_336 : vector<8xi32> to vector<8x1xi32>
      %ge3A_338 = arith.cmpi sge, %broadcast_in_dim3A_337, %get3A_31 : vector<8x1xi32>
      %select_n3A_339 = arith.select %ge3A_338, %add3A_331, %select_n3A_328 : vector<8x1xi1>, vector<8x1xi32>
      %add3A_340 = arith.constant 64 : i32
      %add3A_341 = vector.broadcast %add3A_340 : i32 to vector<8x1xi32>
      %add3A_342 = arith.addi %select_n3A_339, %add3A_341 : vector<8x1xi32>
      %ge3A_343 = vector.broadcast %add3A_342 : vector<8x1xi32> to vector<8x768xi32>
      %ge3A_344 = arith.cmpi sge, %xor3A, %ge3A_343 : vector<8x768xi32>
      %convert_element_type3A_345 = arith.extui %ge3A_344 : vector<8x768xi1> to vector<8x768xi32>
      %reduce_sum3A_346 = arith.constant dense<0> : vector<8xi32>
      %reduce_sum3A_347 = vector.multi_reduction <add>, %convert_element_type3A_345, %reduce_sum3A_346 [1] : vector<8x768xi32> to vector<8xi32>
      %broadcast_in_dim3A_348 = vector.shape_cast %reduce_sum3A_347 : vector<8xi32> to vector<8x1xi32>
      %ge3A_349 = arith.cmpi sge, %broadcast_in_dim3A_348, %get3A_31 : vector<8x1xi32>
      %select_n3A_350 = arith.select %ge3A_349, %add3A_342, %select_n3A_339 : vector<8x1xi1>, vector<8x1xi32>
      %add3A_351 = arith.constant 32 : i32
      %add3A_352 = vector.broadcast %add3A_351 : i32 to vector<8x1xi32>
      %add3A_353 = arith.addi %select_n3A_350, %add3A_352 : vector<8x1xi32>
      %ge3A_354 = vector.broadcast %add3A_353 : vector<8x1xi32> to vector<8x768xi32>
      %ge3A_355 = arith.cmpi sge, %xor3A, %ge3A_354 : vector<8x768xi32>
      %convert_element_type3A_356 = arith.extui %ge3A_355 : vector<8x768xi1> to vector<8x768xi32>
      %reduce_sum3A_357 = arith.constant dense<0> : vector<8xi32>
      %reduce_sum3A_358 = vector.multi_reduction <add>, %convert_element_type3A_356, %reduce_sum3A_357 [1] : vector<8x768xi32> to vector<8xi32>
      %broadcast_in_dim3A_359 = vector.shape_cast %reduce_sum3A_358 : vector<8xi32> to vector<8x1xi32>
      %ge3A_360 = arith.cmpi sge, %broadcast_in_dim3A_359, %get3A_31 : vector<8x1xi32>
      %select_n3A_361 = arith.select %ge3A_360, %add3A_353, %select_n3A_350 : vector<8x1xi1>, vector<8x1xi32>
      %add3A_362 = arith.constant 16 : i32
      %add3A_363 = vector.broadcast %add3A_362 : i32 to vector<8x1xi32>
      %add3A_364 = arith.addi %select_n3A_361, %add3A_363 : vector<8x1xi32>
      %ge3A_365 = vector.broadcast %add3A_364 : vector<8x1xi32> to vector<8x768xi32>
      %ge3A_366 = arith.cmpi sge, %xor3A, %ge3A_365 : vector<8x768xi32>
      %convert_element_type3A_367 = arith.extui %ge3A_366 : vector<8x768xi1> to vector<8x768xi32>
      %reduce_sum3A_368 = arith.constant dense<0> : vector<8xi32>
      %reduce_sum3A_369 = vector.multi_reduction <add>, %convert_element_type3A_367, %reduce_sum3A_368 [1] : vector<8x768xi32> to vector<8xi32>
      %broadcast_in_dim3A_370 = vector.shape_cast %reduce_sum3A_369 : vector<8xi32> to vector<8x1xi32>
      %ge3A_371 = arith.cmpi sge, %broadcast_in_dim3A_370, %get3A_31 : vector<8x1xi32>
      %select_n3A_372 = arith.select %ge3A_371, %add3A_364, %select_n3A_361 : vector<8x1xi1>, vector<8x1xi32>
      %add3A_373 = arith.constant 8 : i32
      %add3A_374 = vector.broadcast %add3A_373 : i32 to vector<8x1xi32>
      %add3A_375 = arith.addi %select_n3A_372, %add3A_374 : vector<8x1xi32>
      %ge3A_376 = vector.broadcast %add3A_375 : vector<8x1xi32> to vector<8x768xi32>
      %ge3A_377 = arith.cmpi sge, %xor3A, %ge3A_376 : vector<8x768xi32>
      %convert_element_type3A_378 = arith.extui %ge3A_377 : vector<8x768xi1> to vector<8x768xi32>
      %reduce_sum3A_379 = arith.constant dense<0> : vector<8xi32>
      %reduce_sum3A_380 = vector.multi_reduction <add>, %convert_element_type3A_378, %reduce_sum3A_379 [1] : vector<8x768xi32> to vector<8xi32>
      %broadcast_in_dim3A_381 = vector.shape_cast %reduce_sum3A_380 : vector<8xi32> to vector<8x1xi32>
      %ge3A_382 = arith.cmpi sge, %broadcast_in_dim3A_381, %get3A_31 : vector<8x1xi32>
      %select_n3A_383 = arith.select %ge3A_382, %add3A_375, %select_n3A_372 : vector<8x1xi1>, vector<8x1xi32>
      %add3A_384 = arith.constant 4 : i32
      %add3A_385 = vector.broadcast %add3A_384 : i32 to vector<8x1xi32>
      %add3A_386 = arith.addi %select_n3A_383, %add3A_385 : vector<8x1xi32>
      %ge3A_387 = vector.broadcast %add3A_386 : vector<8x1xi32> to vector<8x768xi32>
      %ge3A_388 = arith.cmpi sge, %xor3A, %ge3A_387 : vector<8x768xi32>
      %convert_element_type3A_389 = arith.extui %ge3A_388 : vector<8x768xi1> to vector<8x768xi32>
      %reduce_sum3A_390 = arith.constant dense<0> : vector<8xi32>
      %reduce_sum3A_391 = vector.multi_reduction <add>, %convert_element_type3A_389, %reduce_sum3A_390 [1] : vector<8x768xi32> to vector<8xi32>
      %broadcast_in_dim3A_392 = vector.shape_cast %reduce_sum3A_391 : vector<8xi32> to vector<8x1xi32>
      %ge3A_393 = arith.cmpi sge, %broadcast_in_dim3A_392, %get3A_31 : vector<8x1xi32>
      %select_n3A_394 = arith.select %ge3A_393, %add3A_386, %select_n3A_383 : vector<8x1xi1>, vector<8x1xi32>
      %add3A_395 = arith.constant 2 : i32
      %add3A_396 = vector.broadcast %add3A_395 : i32 to vector<8x1xi32>
      %add3A_397 = arith.addi %select_n3A_394, %add3A_396 : vector<8x1xi32>
      %ge3A_398 = vector.broadcast %add3A_397 : vector<8x1xi32> to vector<8x768xi32>
      %ge3A_399 = arith.cmpi sge, %xor3A, %ge3A_398 : vector<8x768xi32>
      %convert_element_type3A_400 = arith.extui %ge3A_399 : vector<8x768xi1> to vector<8x768xi32>
      %reduce_sum3A_401 = arith.constant dense<0> : vector<8xi32>
      %reduce_sum3A_402 = vector.multi_reduction <add>, %convert_element_type3A_400, %reduce_sum3A_401 [1] : vector<8x768xi32> to vector<8xi32>
      %broadcast_in_dim3A_403 = vector.shape_cast %reduce_sum3A_402 : vector<8xi32> to vector<8x1xi32>
      %ge3A_404 = arith.cmpi sge, %broadcast_in_dim3A_403, %get3A_31 : vector<8x1xi32>
      %select_n3A_405 = arith.select %ge3A_404, %add3A_397, %select_n3A_394 : vector<8x1xi1>, vector<8x1xi32>
      %add3A_406 = arith.constant 1 : i32
      %add3A_407 = vector.broadcast %add3A_406 : i32 to vector<8x1xi32>
      %add3A_408 = arith.addi %select_n3A_405, %add3A_407 : vector<8x1xi32>
      %ge3A_409 = vector.broadcast %add3A_408 : vector<8x1xi32> to vector<8x768xi32>
      %ge3A_410 = arith.cmpi sge, %xor3A, %ge3A_409 : vector<8x768xi32>
      %convert_element_type3A_411 = arith.extui %ge3A_410 : vector<8x768xi1> to vector<8x768xi32>
      %reduce_sum3A_412 = arith.constant dense<0> : vector<8xi32>
      %reduce_sum3A_413 = vector.multi_reduction <add>, %convert_element_type3A_411, %reduce_sum3A_412 [1] : vector<8x768xi32> to vector<8xi32>
      %broadcast_in_dim3A_414 = vector.shape_cast %reduce_sum3A_413 : vector<8xi32> to vector<8x1xi32>
      %ge3A_415 = arith.cmpi sge, %broadcast_in_dim3A_414, %get3A_31 : vector<8x1xi32>
      %select_n3A_416 = arith.select %ge3A_415, %add3A_408, %select_n3A_405 : vector<8x1xi1>, vector<8x1xi32>
      %gt3A = vector.broadcast %select_n3A_416 : vector<8x1xi32> to vector<8x768xi32>
      %gt3A_417 = arith.cmpi sgt, %xor3A, %gt3A : vector<8x768xi32>
      %eq3A_418 = vector.broadcast %select_n3A_416 : vector<8x1xi32> to vector<8x768xi32>
      %eq3A_419 = arith.cmpi eq, %xor3A, %eq3A_418 : vector<8x768xi32>
      %convert_element_type3A_420 = arith.extui %gt3A_417 : vector<8x768xi1> to vector<8x768xi32>
      %reduce_sum3A_421 = arith.constant dense<0> : vector<8xi32>
      %reduce_sum3A_422 = vector.multi_reduction <add>, %convert_element_type3A_420, %reduce_sum3A_421 [1] : vector<8x768xi32> to vector<8xi32>
      %broadcast_in_dim3A_423 = vector.shape_cast %reduce_sum3A_422 : vector<8xi32> to vector<8x1xi32>
      %iota3A = tpu.iota {dimensions = array<i32: 0>} : vector<768x768xi32>
      %iota3A_424 = tpu.iota {dimensions = array<i32: 1>} : vector<768x768xi32>
      %lt3A = arith.cmpi slt, %iota3A, %iota3A_424 : vector<768x768xi32>
      %convert_element_type3A_425 = arith.extui %lt3A : vector<768x768xi1> to vector<768x768xi32>
      %convert_element_type3A_426 = arith.sitofp %convert_element_type3A_425 : vector<768x768xi32> to vector<768x768xf32>
      %convert_element_type3A_427 = arith.extui %eq3A_419 : vector<8x768xi1> to vector<8x768xi32>
      %convert_element_type3A_428 = arith.sitofp %convert_element_type3A_427 : vector<8x768xi32> to vector<8x768xf32>
      %dot_general3A_429 = arith.constant dense<0.000000e+00> : vector<8x768xf32>
      %dot_general3A_430 = tpu.matmul %convert_element_type3A_428, %convert_element_type3A_426, %dot_general3A_429 {dimension_numbers = #tpu.dot_dimension_numbers<[1], [0], [0], [1], [0, 0, 1, 1], [], []>, transpose_lhs_hint = false} : vector<8x768xf32>, vector<768x768xf32>, vector<8x768xf32> -> vector<8x768xf32>
      %sub3A_431 = arith.subi %get3A_31, %broadcast_in_dim3A_423 : vector<8x1xi32>
      %convert_element_type3A_432 = arith.sitofp %sub3A_431 : vector<8x1xi32> to vector<8x1xf32>
      %lt3A_433 = vector.broadcast %convert_element_type3A_432 : vector<8x1xf32> to vector<8x768xf32>
      %lt3A_434 = arith.cmpf olt, %dot_general3A_430, %lt3A_433 : vector<8x768xf32>
      %and3A_435 = arith.andi %eq3A_419, %lt3A_434 : vector<8x768xi1>
      %or3A = arith.ori %gt3A_417, %and3A_435 : vector<8x768xi1>
      %jit3A_436 = arith.constant 1.000000e+00 : f32
      %jit3A_437 = arith.constant 0.000000e+00 : f32
      %broadcast_in_dim3A_438 = vector.broadcast %jit3A_436 : f32 to vector<8x768xf32>
      %broadcast_in_dim3A_439 = vector.broadcast %jit3A_437 : f32 to vector<8x768xf32>
      %select_n3A_440 = arith.select %or3A, %broadcast_in_dim3A_438, %broadcast_in_dim3A_439 : vector<8x768xi1>, vector<8x768xf32>
      %swap3A_441 = arith.index_cast %mul3A_0 : i32 to index
      %swap3A_442 = arith.constant 0 : index
      %swap3A_443 = vector.load %arg9[%swap3A_441, %swap3A_442] : memref<256x768xf32, #tpu.memory_space<vmem>>, vector<8x768xf32>
      tpu.vector_store %arg9[%swap3A_441, %swap3A_442], %select_n3A_440 {strides = array<i32>} : memref<256x768xf32, #tpu.memory_space<vmem>>, vector<8x768xf32>,
    } else {
    }
    %get3A_49 = arith.index_cast %mul3A_0 : i32 to index
    %get3A_50 = arith.constant 0 : index
    %get3A_51 = vector.load %arg9[%get3A_49, %get3A_50] : memref<256x768xf32, #tpu.memory_space<vmem>>, vector<8x768xf32>
    %sub3A = arith.subf %get3A_51, %tanh3A : vector<8x768xf32>
    %add3A = arith.addf %tanh3A, %sub3A : vector<8x768xf32>
    %broadcast_in_dim3A_52 = vector.shape_cast %add3A : vector<8x768xf32> to vector<8x768x1xf32>
    %mul3A_53 = vector.broadcast %broadcast_in_dim3A_52 : vector<8x768x1xf32> to vector<8x768x256xf32>
    %mul3A_54 = arith.mulf %reshape3A, %mul3A_53 : vector<8x768x256xf32>
    %reshape3A_55 = vector.shape_cast %mul3A_54 : vector<8x768x256xf32> to vector<6144x256xf32>
    %swap3A_56 = arith.constant 0 : index
    %swap3A_57 = arith.constant 0 : index
    %swap3A_58 = vector.load %arg6[%swap3A_56, %swap3A_57] : memref<6144x256xf32, #tpu.memory_space<vmem>>, vector<6144x256xf32>
    tpu.vector_store %arg6[%swap3A_56, %swap3A_57], %reshape3A_55 {strides = array<i32>} : memref<6144x256xf32, #tpu.memory_space<vmem>>, vector<6144x256xf32>,
    return
  }
  func.func @transform_0(%arg0: i32) -> (i32, i32) {
    %c0_i32 = arith.constant 0 : i32
    %c0_i32_0 = arith.constant 0 : i32
    return %arg0, %c0_i32 : i32, i32
  }
  func.func @transform_1(%arg0: i32) -> (i32, i32) {
    %c0_i32 = arith.constant 0 : i32
    %c0_i32_0 = arith.constant 0 : i32
    %c0_i32_1 = arith.constant 0 : i32
    return %c0_i32, %c0_i32_0 : i32, i32
  }
  func.func @transform_2(%arg0: i32) -> (i32, i32) {
    %c0_i32 = arith.constant 0 : i32
    %c0_i32_0 = arith.constant 0 : i32
    %c0_i32_1 = arith.constant 0 : i32
    return %c0_i32, %c0_i32_0 : i32, i32
  }
  func.func @transform_3(%arg0: i32) -> (i32, i32) {
    %c0_i32 = arith.constant 0 : i32
    %c0_i32_0 = arith.constant 0 : i32
    %c0_i32_1 = arith.constant 0 : i32
    return %c0_i32, %c0_i32_0 : i32, i32
  }
  func.func @transform_4(%arg0: i32) -> (i32, i32) {
    %c0_i32 = arith.constant 0 : i32
    %c0_i32_0 = arith.constant 0 : i32
    %c0_i32_1 = arith.constant 0 : i32
    return %c0_i32, %c0_i32_0 : i32, i32
  }
  func.func @transform_5(%arg0: i32) -> (i32, i32) {
    %c0_i32 = arith.constant 0 : i32
    %c0_i32_0 = arith.constant 0 : i32
    return %arg0, %c0_i32 : i32, i32
  }
  func.func @transform_6(%arg0: i32) -> (i32, i32) {
    %c0_i32 = arith.constant 0 : i32
    %c0_i32_0 = arith.constant 0 : i32
    %c0_i32_1 = arith.constant 0 : i32
    return %c0_i32, %c0_i32_0 : i32, i32
  }
  func.func @transform_7(%arg0: i32) -> (i32, i32) {
    %c0_i32 = arith.constant 0 : i32
    %c0_i32_0 = arith.constant 0 : i32
    %c0_i32_1 = arith.constant 0 : i32
    return %c0_i32, %c0_i32_0 : i32, i32
  }
  func.func @transform_8(%arg0: i32) -> (i32, i32) {
    %c0_i32 = arith.constant 0 : i32
    %c0_i32_0 = arith.constant 0 : i32
    %c0_i32_1 = arith.constant 0 : i32
    return %c0_i32, %c0_i32_0 : i32, i32
  }
  func.func @transform_9(%arg0: i32) -> (i32, i32) {
    %c0_i32 = arith.constant 0 : i32
    %c0_i32_0 = arith.constant 0 : i32
    %c0_i32_1 = arith.constant 0 : i32
    return %c0_i32, %c0_i32_0 : i32, i32
  }
}

</mosaic_0001>

<sc_bundles>
// kernel: sparse-core-data-format-call.1.cloned.1.call-start
scs
called_computation.1_lowered:
.L_overlay_start_0:
0x0: {  	s2 =	sld [smem:$0x3FD9]  }
0x1: {  	s3 =	sld [smem:$0x3FFE];
	_ =	sdelay $0x1  }
0x2: {  	s1 =	srdreg.scid  }
0x3: {  	s0 =	sand.u32 $0x1, s1  }
0x4: {  	s15 =	sshll.u32 s0, $0xA;
	s2 =	sadd.s32 s3, s2  }
0x5: {  	s2 =	sadd.s32 s2, s15  }
0x6: {  	[smem:$0x3FC3] =	sst s2  }
0x7: {  	_ = 	snop  }
0x8: {  	s2 =	sld [smem:$0x3FD0];
	_ =	sdelay $0x2  }
0x9: {  	s16 =	simm.s32 $0xA;
	s4 =	simm.s32 $0x10  }
0xa: {  	[smem:s4], [sflag:s16] =	dma.local [hbm:s2], $0x1  }
0xb: {  	_ =	swait.eq [sflag:s16], $0x1  }
0xc: {  	[sflag:s16] =	ssyncset.done $0x0  }
0xd: {  	[sflag:s16] =	ssyncadd.s32 $0xFFFFFFFF  }
0xe: {  	s17 =	sld [smem:$0x10];
	(tm) =	ssettm $0x1  }
0xf: {  	s18 =	sld [smem:$0x3FFB];
	_ =	sdelay $0x3  }
0x10: {  	_ =	strace s18  }
0x11: {  	s3 =	sld [smem:$0x3FFC];
	_ =	sdelay $0x3  }
0x12: {  	_ =	strace s3  }
0x13: {  	s3 =	sld [smem:$0x3FFD];
	_ =	sdelay $0x3  }
0x14: {  	_ =	strace s3  }
0x15: {  	_ =	strace $0x8FFFFFFF  }
0x16: {  	s19 =	sld [smem:$0x3FDB];
	_ =	sdelay $0x1  }
0x17: {  	s20 =	simm.s32 $_scs_section_size  }
0x18: {  	s5 =	simm.s32 $_size__tile_overlayer_lowered;
	s6 =	simm.s32 $_tile_overlayer_lowered  }
0x19: {  	s23 =	simm.s32 $0x1BFF;
	s22 =	sshll.u32 s6, $0x1;
	s3 =	sadd.s32 s20, s19  }
0x1a: {  	s7 =	simm.s32 $0x0;
	s21 =	sshll.u32 s5, $0x1;
	s5 =	sadd.s32 s22, s3  }
0x1b: {  	[timem:s7], [sflag:s23] =	dma.local [hbm:s5], s21  }
0x1c: {  	_ =	swait.ge [sflag:s23], s21  }
0x1d: {  	s4 =	ssub.s32 $0x0, s21;
	[sflag:s23] =	ssyncset.done $0x0  }
0x1e: {  	[sflag:s23] =	ssyncadd.s32 s4;
	_ =	sdelay $0x1  }
0x1f: {  	s24 =	simm.s32 $0x1B8B  }
0x20: {  	_ =	swait.ge [sflag:s24], $0x1  }
0x21: {  	[sflag:s24] =	ssyncset.done $0x0  }
0x22: {  	s26 =	simm.s32 $0x1B8E;
	s25 =	sld [smem:$0x3FFE];
	[sflag:s24] =	ssyncadd.s32 $0xFFFFFFFF  }
0x23: {  	s27 =	simm.s32 $execute0_lowered;
	[smem:$0x3FD2] =	sst s26  }
0x24: {  	s5 =	sshll.u32 s27, $0x1;
	_ =	strace $0x80000049;
	[dreg:$0x1] =	wrdreg $0xFFFFFFFF  }
0x25: {  	s28 =	simm.s32 $_size_execute0_lowered;
	s3 =	sadd.s32 s3, s5;
	[dreg:$0x0] =	wrdreg $0x0  }
0x26: {  	s5 =	sshll.u32 s28, $0x1;
	[dreg:$0x2] =	wrdreg s3  }
0x27: {  	[dreg:$0x3] =	wrdreg s5  }
0x28: {  	[dreg:$0x4] =	wrdreg $0xC0  }
0x29: {  	_ =	task [dreg:s7], $0x5FFFF  }
0x2a: {  	[dreg:$0x1] =	wrdreg $0xFFFFFFFF  }
0x2b: {  	[dreg:$0x0] =	wrdreg $0x60  }
0x2c: {  	[dreg:$0x2] =	wrdreg s17  }
0x2d: {  	[dreg:$0x3] =	wrdreg s25  }
0x2e: {  	[dreg:$0x4] =	wrdreg $0x9  }
0x2f: {  	_ =	task.clear_ibuf [dreg:s7], $0x5FFFF;
	_ =	strace $0x90000049  }
0x30: {  	s29 =	simm.s32 $0x9;
	_ =	strace $0x8000004B  }
0x31: {  	_ =	swait.ge [sflag:s29], $0x1  }
0x32: {  	[sflag:s29] =	ssyncadd.s32 $0xFFFFFFFF  }
0x33: {  	_ =	strace $0x9000004B  }
0x34: {  	_ =	sfence  }
0x35: {  	s30 =	sld [smem:$0x0];
	_ =	sdelay $0x2  }
0x36: {  	s31 =	sshll.u32 s1, $0xD;
	s1 =	sshrl.u32 s1, $0x2  }
0x37: {  	s3 =	sand.u32 $0x4000, s31;
	s1 =	sadd.s32 s1, s30  }
0x38: {  	s0 =	sor.u32 s3, s0;
	s1 =	sshll.u32 s1, $0x11  }
0x39: {  	s0 =	sor.u32 s1, s0  }
0x3a: {  	s0 =	sadd.s32 $0x8F2B, s0  }
0x3b: {  	[sflag:s0] =	ssyncadd.remote.s32 $0x1  }
0x3c: {  	_ =	sfence.sel $0xFFFF  }
0x3d: {  	[dreg:$0x0] =	wrdreg $0xFFFFFFFF;
	(pc) =	sbr.abs _section_cstart, $3  }
0x3e: {  	[dreg:$0x1] =	wrdreg $0xFFFFFFFF  }
0x3f: {  	_ =	task.clear_ibuf [dreg:s7], $0x2FFFF;
	_ =	strace $0x9FFFFFFF  }
0x40: {  	(tm) =	ssettm $0x7FFFFFFF  }
0x41: {  	_ =	shalt  }
tec
execute0_lowered:
.L_overlay_start_1:
0x0: {  	(tag) =	ssettag $0x1  }
0x1: {  	s2 =	rddreg [dreg:$0x0]  }
0x2: {  	s1 =	rddreg [dreg:$0x1]  }
0x3: {  	s0 =	rddreg [dreg:$0x2];
	_ =	strace $0x8000004A;
	s4 =	srdreg.scid  }
0x4: {  	s6 =	simm.s32 $0x2;
	s13 =	simm.s32 $0x0;
	p0 =	por $0x0, $0x0  }
0x5: {  	s12 =	simm.s32 $0x0;
	s15 =	simm.s32 $0x0;
	s14 =	simm.s32 $0x0  }
.Ltmp0:
0x6: {  	s8 =	simm.s32 $0x0;
	s9 =	simm.s32 $0x0;
	(pc) =	sbr.rel .LBB1_1-.Ltmp0, $4  }
0x7: {  	s10 =	simm.s32 $0x0;
	s3 =	sadd.s32 $0x1400, s1;
	s5 =	sshll.u32 s4, $0x4  }
0x8: {  	s1 =	stileid.u32;
	s4 =	simm.s32 $0x1;
	s5 =	sand.u32 $0x10, s5  }
0x9: {  	s7 =	simm.s32 $0x0;
	[sflag:s4] =	ssyncpa.u1 $0x0;
	s5 =	sor.u32 s1, s5  }
0xa: {  	[sflag:s6] =	ssyncpa.u1 $0x0;
	s6 =	simm.s32 $0x30000;
	s11 =	smov.u32 s5  }
.LBB1_7:
0xb: {  	s16 =	sadd.s32 $0x100, s8  }
0xc: {  	s12 =	sadd.s32 $0x8, s9;
	s17 =	smov.u32 s9;
	p2 =	sgt.s32 s16, $0x2FF  }
0xd: {  	s17 =	smov.u32 @p2 s12  }
0xe: {  	s18 =	smov.u32 s10;
	s12 =	sadd.s32 $0x8, s10;
	p3 =	sgt.s32 s17, $0x7  }
0xf: {  	s18 =	smov.u32 @p3 s12  }
0x10: {  	s19 =	smov.u32 s11;
	s12 =	sadd.s32 $0x20, s11;
	p4 =	sgt.s32 s18, $0xFF  }
0x11: {  	p1 =	slt.u32 s7, $0x2;
	s19 =	smov.u32 @p4 s12  }
0x12: {  	s7 =	sadd.s32 $0x1, s7;
	s16 =	simm.s32 @p2 $0x0;
	p2 =	sgt.s32 s19, $0x1F  }
0x13: {  	s13 =	smov.u32 s8;
	s19 =	smov.u32 @p2 s5;
	p2 =	sne.s32 s7, $0x62  }
.Ltmp1:
0x14: {  	s15 =	smov.u32 s10;
	s20 =	simm.s32 @!p1 $0x2;
	(pc) =	sbr.rel @!p2 .LBB1_8-.Ltmp1, $4  }
0x15: {  	s14 =	smov.u32 s11;
	p0 =	por !p0, !p0;
	_ =	swait.ge @!p1 [sflag:s20], $0x4000  }
0x16: {  	[sflag:s20] =	ssyncset.done @!p1 $0x0;
	s8 =	smov.u32 s16;
	s17 =	simm.s32 @p3 $0x0  }
0x17: {  	[sflag:s20] =	ssyncadd.s32 @!p1 $0xFFFFC000;
	s18 =	simm.s32 @p4 $0x0;
	s12 =	smov.u32 s9  }
0x18: {  	s9 =	smov.u32 s17;
	s10 =	smov.u32 s18;
	s11 =	smov.u32 s19  }
.LBB1_1:
0x19: {  	p1 =	sgt.u32 s7, $0x5F  }
0x1a: {  	s16 =	sshrl.u32 @!p1 s9, $0x3  }
0x1b: {  	s17 =	sshll.u32 @!p1 s8, $0x3;
	s16 =	smul.u32 @!p1 $0x1800, s16  }
0x1c: {  	s18 =	sshll.u32 @!p1 s9, $0x7;
	s17 =	sand.u32 @!p1 $0xFFFFFC00, s17  }
0x1d: {  	s16 =	sadd.s32 @!p1 s16, s17;
	s17 =	sand.u32 @!p1 $0x380, s18  }
0x1e: {  	s18 =	sand.u32 @!p1 $0x7F, s8;
	s16 =	sor.u32 @!p1 s17, s16  }
0x1f: {  	s17 =	sor.u32 @!p1 s18, s16  }
0x20: {  	s18 =	smulhi.u32 @!p1 $0xAAAAAAAB, s17  }
0x21: {  	s16 =	smulhi.u32 @!p1 $0xAAAAAAAB, s16  }
0x22: {  	s20 =	smul.u32 @!p1 $0x30000, s11;
	s18 =	sshrl.u32 @!p1 s18, $0x9  }
0x23: {  	s19 =	sxor.u32 @!p1 $0xFFFFFFFF, s7;
	s16 =	sshrl.u32 @!p1 s16, $0x9;
	s18 =	smul.u32 @!p1 $0x300, s18  }
0x24: {  	s21 =	smul.u32 @!p1 $0x300, s10;
	s19 =	sshll.u32 @!p1 s19, $0xE;
	s16 =	sand.u32 @!p1 $0x7, s16  }
0x25: {  	s16 =	smul.u32 @!p1 $0x60, s16;
	s17 =	ssub.s32 @!p1 s17, s18;
	s18 =	sadd.s32 @!p1 s2, s20  }
0x26: {  	s19 =	sand.u32 @!p1 $0x4000, s19;
	s18 =	sadd.s32 @!p1 s21, s18;
	s20 =	sand.u32 @!p1 $0x7, s17  }
0x27: {  	s17 =	sshrl.u32 @!p1 s17, $0x3;
	s16 =	sadd.s32 @!p1 s16, s18;
	s18 =	sshll.u32 @!p1 s20, $0x12  }
0x28: {  	s16 =	sadd.s32 @!p1 s17, s16;
	s17 =	sor.u32 @!p1 $0x800, s18;
	s18 =	simm.s32 @!p1 $0x1800  }
0x29: {  	[tilespmem:s19], [sflag:$0x1] =	stream.strided.gather @!p1 [hbm4b:s16+s17], $0x4000, s18, s17, $0x38;
	[tilespmem:$0x10000] =	vst v63  }
0x2a: {  	p1 =	seq.s32 s7, $0x0  }
0x2b: {  	p2 =	seq.s32 @!p1 s7, $0x61  }
0x2c: {  	p1 =	por p1, p2  }
.Ltmp2:
0x2d: {  	_ = 	snop;
	(pc) =	sbr.rel @p1 .LBB1_7-.Ltmp2, $1  }
0x2e: {  	_ =	sdelay $0x3  }
0x2f: {  	s16 =	simm.s32 $0x1;
	_ =	swait.ge [sflag:s4], $0x4000  }
0x30: {  	s31 =	sshll.u32 s7, $0xE;
	s21 =	simm.s32 $0x0;
	p1 =	por $0x0, $0x0  }
0x31: {  	s22 =	simm.s32 $0x0;
	s23 =	simm.s32 $0x0;
	s16 =	simm.s32 @!p0 $0x0  }
0x32: {  	[sflag:s4] =	ssyncset.done $0x0;
	s19 =	sand.u32 $0x4000, s31;
	s16 =	sshll.u32 s16, $0x10  }
0x33: {  	[sflag:s4] =	ssyncadd.s32 $0xFFFFC000;
	s20 =	sshrl.u32 s16, $0x2;
	s16 =	sor.u32 $0x8000, s19  }
0x34: {  	s17 =	sor.u32 $0x40, s20;
	s18 =	sor.u32 $0x8410, s20;
	s20 =	sadd.s32 $0x8400, s20  }
.LBB1_3:
0x35: {  	v1 =	vld [tilespmem:s17+$0xFFFFFFD0]  }
0x36: {  	v2 =	vld [tilespmem:s17+$0x430]  }
0x37: {  	s24 =	sshll.u32 s23, $0xB;
	v4 =	vld [tilespmem:s17+$0xFFFFFFE0]  }
0x38: {  	v7 =	vld [tilespmem:s17+$0xFFFFFFF0];
	v0 =	vmov s24  }
0x39: {  	v8 =	vld [tilespmem:s17+$0x0]  }
0x3a: {  	s30 =	sand.u32 $0x300, s21;
	v9 =	vld [tilespmem:s17+$0x10]  }
0x3b: {  	s25 =	sand.u32 $0x80, s21;
	v10 =	vld [tilespmem:s17+$0x20];
	s24 =	sadd.s32 s30, s19  }
0x3c: {  	v11 =	vld [tilespmem:s17+$0x30];
	s24 =	sadd.s32 s25, s24;
	s25 =	simm.s32 $0x1;
	[tilespmem:s18+$0x60] =	vst v2  }
0x3d: {  	s31 =	sshll.u32 s22, $0x2;
	s25 =	simm.s32 @!p1 $0x0;
	[tilespmem:s18+$0xFFFFFC00] =	vst v1;
	v3 =	vld.idx.msk [tilespmem:v0+s24+$0x400 ss:$0x1], $0xffff  }
0x3e: {  	v6 =	vld [tilespmem:s17+$0x3D0];
	s25 =	sshll.u32 s25, $0x9;
	[tilespmem:s18+$0xFFFFFC10] =	vst v4;
	s24 =	sand.u32 $0xFFFFFC00, s31  }
0x3f: {  	v5 =	vld [tilespmem:s17+$0x3E0];
	[tilespmem:s18+$0xFFFFFC20] =	vst v7;
	s24 =	sor.u32 s25, s24  }
0x40: {  	[tilespmem:s18+$0xFFFFFC30] =	vst v8;
	v4 =	vld [tilespmem:s17+$0x400];
	s24 =	sshrl.u32 s24, $0x2  }
0x41: {  	[tilespmem:s18+$0xFFFFFC40] =	vst v9;
	v1 =	vld [tilespmem:s17+$0x410];
	s24 =	sadd.s32 s24, s20  }
0x42: {  	[tilespmem:s24+$0x0] =	vst v3;
	v3 =	vld [tilespmem:s17+$0x3F0]  }
0x43: {  	s28 =	simm.s32 $0x80;
	s27 =	simm.s32 $0x100;
	[tilespmem:s18+$0xFFFFFC50] =	vst v10;
	v2 =	vld [tilespmem:s17+$0x420]  }
0x44: {  	s26 =	smov.u32 s18;
	s29 =	sand.u32 $0x300, s28;
	v7 =	vld [tilespmem:s17+$0xFFFFFFC0];
	[tilespmem:s18+$0xFFFFFC60] =	vst v11;
	s25 =	sadd.s32 $0x80, s17  }
.LBB1_4:
0x45: {  	p2 =	sne.s32 s27, $0x380;
	v8 =	vld [tilespmem:s25+$0xFFFFFFD0];
	s28 =	sand.u32 $0x80, s28;
	s29 =	sadd.s32 s29, s19;
	[tilespmem:s26+$0x0] =	vst v6  }
0x46: {  	s29 =	sadd.s32 s28, s29;
	v6 =	vld [tilespmem:s25+$0x430];
	[tilespmem:s26+$0x10] =	vst v5;
	s28 =	smov.u32 s27  }
0x47: {  	v5 =	vld.idx.msk [tilespmem:v0+s29+$0x400 ss:$0x1], $0xffff;
	[tilespmem:s26+$0x20] =	vst v3  }
0x48: {  	v3 =	vld [tilespmem:s25+$0xFFFFFFE0];
	[tilespmem:s26+$0x30] =	vst v4  }
0x49: {  	v4 =	vld [tilespmem:s25+$0xFFFFFFF0];
	[tilespmem:s26+$0xFFFFFBF0] =	vst v7  }
0x4a: {  	v7 =	vld [tilespmem:s25+$0x0];
	[tilespmem:s26+$0x40] =	vst v1  }
0x4b: {  	v1 =	vld [tilespmem:s25+$0x10];
	[tilespmem:s26+$0x50] =	vst v2;
	s26 =	sadd.s32 $0x800, s26  }
0x4c: {  	s24 =	sadd.s32 $0x800, s24;
	v2 =	vld [tilespmem:s25+$0x20];
	[tilespmem:s26+$0x60] =	vst v6  }
0x4d: {  	v9 =	vld [tilespmem:s25+$0x30];
	[tilespmem:s24+$0x0] =	vst v5  }
0x4e: {  	[tilespmem:s26+$0xFFFFFC00] =	vst v8;
	v6 =	vld [tilespmem:s25+$0x3D0]  }
0x4f: {  	[tilespmem:s26+$0xFFFFFC10] =	vst v3;
	v5 =	vld [tilespmem:s25+$0x3E0]  }
.Ltmp3:
0x50: {  	[tilespmem:s26+$0xFFFFFC20] =	vst v4;
	v3 =	vld [tilespmem:s25+$0x3F0];
	(pc) =	sbr.rel @p2 .LBB1_4-.Ltmp3, $4  }
0x51: {  	[tilespmem:s26+$0xFFFFFC30] =	vst v7;
	v4 =	vld [tilespmem:s25+$0x400]  }
0x52: {  	[tilespmem:s26+$0xFFFFFC40] =	vst v1;
	v1 =	vld [tilespmem:s25+$0x410]  }
0x53: {  	[tilespmem:s26+$0xFFFFFC50] =	vst v2;
	v2 =	vld [tilespmem:s25+$0x420]  }
0x54: {  	s27 =	sadd.s32 $0x80, s27;
	s29 =	sand.u32 $0x300, s28;
	v7 =	vld [tilespmem:s25+$0xFFFFFFC0];
	[tilespmem:s26+$0xFFFFFC60] =	vst v9;
	s25 =	sadd.s32 $0x80, s25  }
0x55: {  	[tilespmem:s26+$0x0] =	vst v6  }
0x56: {  	[tilespmem:s26+$0x10] =	vst v5  }
0x57: {  	v49 =	vld [tilespmem:s25+$0x430];
	[tilespmem:s26+$0x20] =	vst v3  }
0x58: {  	v50 =	vld [tilespmem:s25+$0xFFFFFFD0];
	[tilespmem:s26+$0x30] =	vst v4  }
0x59: {  	v51 =	vld [tilespmem:s25+$0xFFFFFFE0];
	[tilespmem:s26+$0x40] =	vst v1  }
0x5a: {  	v52 =	vld [tilespmem:s25+$0xFFFFFFF0];
	[tilespmem:s26+$0x50] =	vst v2  }
0x5b: {  	s31 =	sadd.s32 $0x800, s26;
	v53 =	vld [tilespmem:s25+$0x0];
	[tilespmem:s26+$0xFFFFFBF0] =	vst v7  }
0x5c: {  	v54 =	vld [tilespmem:s25+$0x10];
	[tilespmem:s31+$0x60] =	vst v49  }
0x5d: {  	v55 =	vld [tilespmem:s25+$0x20];
	[tilespmem:s31+$0xFFFFFC00] =	vst v50  }
0x5e: {  	v56 =	vld [tilespmem:s25+$0x30];
	[tilespmem:s31+$0xFFFFFC10] =	vst v51  }
0x5f: {  	v57 =	vld [tilespmem:s25+$0x3D0];
	[tilespmem:s31+$0xFFFFFC20] =	vst v52  }
0x60: {  	v58 =	vld [tilespmem:s25+$0x3E0];
	[tilespmem:s31+$0xFFFFFC30] =	vst v53  }
0x61: {  	v59 =	vld [tilespmem:s25+$0x3F0];
	[tilespmem:s31+$0xFFFFFC40] =	vst v54  }
0x62: {  	v60 =	vld [tilespmem:s25+$0x400];
	[tilespmem:s31+$0xFFFFFC50] =	vst v55  }
0x63: {  	v61 =	vld [tilespmem:s25+$0xFFFFFFC0];
	[tilespmem:s31+$0xFFFFFC60] =	vst v56  }
0x64: {  	s27 =	sand.u32 $0x80, s28;
	s30 =	sadd.s32 s29, s19;
	v62 =	vld [tilespmem:s25+$0x410];
	[tilespmem:s31+$0x0] =	vst v57  }
0x65: {  	v63 =	vld [tilespmem:s25+$0x420];
	s23 =	sadd.s32 $0x1, s23;
	s27 =	sadd.s32 s27, s30;
	[tilespmem:s31+$0x10] =	vst v58  }
0x66: {  	p2 =	sne.s32 s23, $0x8;
	v0 =	vld.idx.msk [tilespmem:v0+s27+$0x400 ss:$0x1], $0xffff;
	[tilespmem:s31+$0x20] =	vst v59  }
.Ltmp4:
0x67: {  	[tilespmem:s31+$0x30] =	vst v60;
	(pc) =	sbr.rel @p2 .LBB1_3-.Ltmp4, $4  }
0x68: {  	[tilespmem:s31+$0xFFFFFBF0] =	vst v61  }
0x69: {  	[tilespmem:s31+$0x40] =	vst v62  }
0x6a: {  	s24 =	sadd.s32 $0x800, s24;
	s17 =	sadd.s32 $0x800, s17;
	[tilespmem:s31+$0x50] =	vst v63  }
0x6b: {  	s22 =	sadd.s32 $0x80, s22;
	p1 =	por !p1, !p1;
	s18 =	sadd.s32 $0x80, s18;
	[tilespmem:s24+$0x0] =	vst v0  }
0x6c: {  	s17 =	sshrl.u32 s15, $0x3  }
0x6d: {  	s18 =	sshll.u32 s13, $0x3;
	s17 =	smul.u32 $0x1800, s17  }
0x6e: {  	s27 =	sshll.u32 s15, $0x7;
	s18 =	sand.u32 $0xFFFFFC00, s18  }
0x6f: {  	s15 =	sand.u32 $0x380, s27;
	s17 =	sadd.s32 s17, s18  }
0x70: {  	s28 =	sand.u32 $0x7F, s13;
	s15 =	sor.u32 s15, s17  }
0x71: {  	s13 =	sor.u32 s28, s15;
	s15 =	smulhi.u32 $0xAAAAAAAB, s15  }
0x72: {  	s29 =	smulhi.u32 $0xAAAAAAAB, s13  }
0x73: {  	s14 =	smul.u32 $0x30000, s14  }
0x74: {  	s12 =	smul.u32 $0x6000, s12;
	s15 =	sshrl.u32 s15, $0x9;
	s17 =	sshrl.u32 s29, $0x9  }
0x75: {  	s15 =	sand.u32 $0xFF, s15;
	s17 =	smul.u32 $0x300, s17  }
0x76: {  	s15 =	smul.u32 $0x60, s15  }
.Ltmp5:
0x77: {  	s14 =	sadd.s32 s3, s14;
	s13 =	ssub.s32 s13, s17;
	(pc) =	sbr.rel .LBB1_7-.Ltmp5, $4  }
0x78: {  	s12 =	sadd.s32 s12, s14;
	s30 =	sand.u32 $0x7, s13  }
0x79: {  	s12 =	sadd.s32 s15, s12;
	s13 =	sshrl.u32 s13, $0x3;
	s14 =	sshll.u32 s30, $0x12  }
0x7a: {  	s12 =	sadd.s32 s13, s12;
	s31 =	sor.u32 $0x800, s14  }
0x7b: {  	[hbm4b:s12+s31] =	stream.strided.scatter [tilespmem:s16], [sflag:$0x2], $0x4000, s6, s31, $0x38;
	[tilespmem:$0x10000] =	vst v63  }
.LBB1_8:
0x7c: {  	_ =	sfence.sel $0x180000  }
0x7d: {  	s2 =	simm.s32 $0x1;
	[bflag:$0x0] =	sbarrier.arrive $0xFFFF  }
0x7e: {  	s31 =	simm.s32 $0x2;
	[sflag:s2] =	ssyncpa.u1 $0x1  }
0x7f: {  	[sflag:s31] =	ssyncpa.u1 $0x1  }
0x80: {  	p0 =	sne.s32 s1, $0x0;
	_ =	strace $0x9000004A  }
0x81: {  	s0 =	sadd.s32 @!p0 $0x100000, s0;
	[bflag:$0x2] =	sbarrier.arrive $0xFFFF  }
0x82: {  	[sflag:s0] =	ssyncadd.tile.s32 @!p0 $0x1;
	_ =	shalt  }
.Lfunc_end1:
_tile_overlayer_lowered:
.L_overlay_start_2:
0x83: {  	(tag) =	ssettag $0x2  }
0x84: {  	s0 =	rddreg [dreg:$0x0];
	s2 =	stileid.u32  }
0x85: {  	s1 =	rddreg [dreg:$0x1];
	p0 =	sne.s32 s2, $0x0  }
0x86: {  	s3 =	rddreg [dreg:$0x2];
	[bflag:$0x3] =	sbarrier.arrive $0xFFFF;
	s2 =	simm.s32 @!p0 $0x1C01  }
0x87: {  	[timem:s3], [sflag:s2] =	dma.local @!p0 [hbm:s0], s1  }
0x88: {  	s0 =	simm.s32 @!p0 $0x1  }
0x89: {  	_ =	swait.ge @!p0 [sflag:s0], s1  }
0x8a: {  	s1 =	ssub.s32 @!p0 $0x0, s1;
	[sflag:s0] =	ssyncset.done @!p0 $0x0  }
0x8b: {  	[sflag:s0] =	ssyncadd.s32 @!p0 s1  }
0x8c: {  	[bflag:$0x3] =	sbarrier.arrive $0xFFFF  }
0x8d: {  	_ =	shalt  }

// kernel: sparse-core-data-format-call.2.cloned.1.call-start
scs
called_computation.2_lowered:
.L_overlay_start_0:
0x0: {  	s2 =	sld [smem:$0x3FD9]  }
0x1: {  	s3 =	sld [smem:$0x3FFE];
	_ =	sdelay $0x1  }
0x2: {  	s1 =	srdreg.scid  }
0x3: {  	s0 =	sand.u32 $0x1, s1  }
0x4: {  	s15 =	sshll.u32 s0, $0xA;
	s2 =	sadd.s32 s3, s2  }
0x5: {  	s2 =	sadd.s32 s2, s15  }
0x6: {  	[smem:$0x3FC3] =	sst s2  }
0x7: {  	_ = 	snop  }
0x8: {  	s2 =	sld [smem:$0x3FD0];
	_ =	sdelay $0x2  }
0x9: {  	s16 =	simm.s32 $0xA;
	s4 =	simm.s32 $0x10  }
0xa: {  	[smem:s4], [sflag:s16] =	dma.local [hbm:s2], $0x1  }
0xb: {  	_ =	swait.eq [sflag:s16], $0x1  }
0xc: {  	[sflag:s16] =	ssyncset.done $0x0  }
0xd: {  	[sflag:s16] =	ssyncadd.s32 $0xFFFFFFFF  }
0xe: {  	s17 =	sld [smem:$0x10];
	(tm) =	ssettm $0x1  }
0xf: {  	s18 =	sld [smem:$0x3FFB];
	_ =	sdelay $0x3  }
0x10: {  	_ =	strace s18  }
0x11: {  	s3 =	sld [smem:$0x3FFC];
	_ =	sdelay $0x3  }
0x12: {  	_ =	strace s3  }
0x13: {  	s3 =	sld [smem:$0x3FFD];
	_ =	sdelay $0x3  }
0x14: {  	_ =	strace s3  }
0x15: {  	_ =	strace $0x8FFFFFFF  }
0x16: {  	s19 =	sld [smem:$0x3FDB];
	_ =	sdelay $0x1  }
0x17: {  	s20 =	simm.s32 $_scs_section_size  }
0x18: {  	s5 =	simm.s32 $_size__tile_overlayer_lowered;
	s6 =	simm.s32 $_tile_overlayer_lowered  }
0x19: {  	s23 =	simm.s32 $0x1BFF;
	s22 =	sshll.u32 s6, $0x1;
	s3 =	sadd.s32 s20, s19  }
0x1a: {  	s7 =	simm.s32 $0x0;
	s21 =	sshll.u32 s5, $0x1;
	s5 =	sadd.s32 s22, s3  }
0x1b: {  	[timem:s7], [sflag:s23] =	dma.local [hbm:s5], s21  }
0x1c: {  	_ =	swait.ge [sflag:s23], s21  }
0x1d: {  	s4 =	ssub.s32 $0x0, s21;
	[sflag:s23] =	ssyncset.done $0x0  }
0x1e: {  	[sflag:s23] =	ssyncadd.s32 s4;
	_ =	sdelay $0x1  }
0x1f: {  	s24 =	simm.s32 $0x1B8B  }
0x20: {  	_ =	swait.ge [sflag:s24], $0x1  }
0x21: {  	[sflag:s24] =	ssyncset.done $0x0  }
0x22: {  	s26 =	simm.s32 $0x1B8E;
	s25 =	sld [smem:$0x3FFE];
	[sflag:s24] =	ssyncadd.s32 $0xFFFFFFFF  }
0x23: {  	s27 =	simm.s32 $execute0_lowered;
	[smem:$0x3FD2] =	sst s26  }
0x24: {  	s5 =	sshll.u32 s27, $0x1;
	_ =	strace $0x80000046;
	[dreg:$0x1] =	wrdreg $0xFFFFFFFF  }
0x25: {  	s28 =	simm.s32 $_size_execute0_lowered;
	s3 =	sadd.s32 s3, s5;
	[dreg:$0x0] =	wrdreg $0x0  }
0x26: {  	s5 =	sshll.u32 s28, $0x1;
	[dreg:$0x2] =	wrdreg s3  }
0x27: {  	[dreg:$0x3] =	wrdreg s5  }
0x28: {  	[dreg:$0x4] =	wrdreg $0xC0  }
0x29: {  	_ =	task [dreg:s7], $0x5FFFF  }
0x2a: {  	[dreg:$0x1] =	wrdreg $0xFFFFFFFF  }
0x2b: {  	[dreg:$0x0] =	wrdreg $0x60  }
0x2c: {  	[dreg:$0x2] =	wrdreg s17  }
0x2d: {  	[dreg:$0x3] =	wrdreg s25  }
0x2e: {  	[dreg:$0x4] =	wrdreg $0x9  }
0x2f: {  	_ =	task.clear_ibuf [dreg:s7], $0x5FFFF;
	_ =	strace $0x90000046  }
0x30: {  	s29 =	simm.s32 $0x9;
	_ =	strace $0x80000048  }
0x31: {  	_ =	swait.ge [sflag:s29], $0x1  }
0x32: {  	[sflag:s29] =	ssyncadd.s32 $0xFFFFFFFF  }
0x33: {  	_ =	strace $0x90000048  }
0x34: {  	_ =	sfence  }
0x35: {  	s30 =	sld [smem:$0x0];
	_ =	sdelay $0x2  }
0x36: {  	s31 =	sshll.u32 s1, $0xD;
	s1 =	sshrl.u32 s1, $0x2  }
0x37: {  	s3 =	sand.u32 $0x4000, s31;
	s1 =	sadd.s32 s1, s30  }
0x38: {  	s0 =	sor.u32 s3, s0;
	s1 =	sshll.u32 s1, $0x11  }
0x39: {  	s0 =	sor.u32 s1, s0  }
0x3a: {  	s0 =	sadd.s32 $0x8F2B, s0  }
0x3b: {  	[sflag:s0] =	ssyncadd.remote.s32 $0x1  }
0x3c: {  	_ =	sfence.sel $0xFFFF  }
0x3d: {  	[dreg:$0x0] =	wrdreg $0xFFFFFFFF;
	(pc) =	sbr.abs _section_cstart, $3  }
0x3e: {  	[dreg:$0x1] =	wrdreg $0xFFFFFFFF  }
0x3f: {  	_ =	task.clear_ibuf [dreg:s7], $0x2FFFF;
	_ =	strace $0x9FFFFFFF  }
0x40: {  	(tm) =	ssettm $0x7FFFFFFF  }
0x41: {  	_ =	shalt  }
tec
execute0_lowered:
.L_overlay_start_1:
0x0: {  	(tag) =	ssettag $0x1  }
0x1: {  	s2 =	rddreg [dreg:$0x0]  }
0x2: {  	s1 =	rddreg [dreg:$0x1]  }
0x3: {  	s0 =	rddreg [dreg:$0x2];
	_ =	strace $0x80000047;
	s4 =	srdreg.scid  }
0x4: {  	s6 =	simm.s32 $0x2;
	s14 =	simm.s32 $0x0;
	p0 =	por $0x0, $0x0  }
0x5: {  	s12 =	simm.s32 $0x0;
	s15 =	simm.s32 $0x0;
	s13 =	simm.s32 $0x0  }
.Ltmp0:
0x6: {  	s8 =	simm.s32 $0x0;
	s9 =	simm.s32 $0x0;
	(pc) =	sbr.rel .LBB1_1-.Ltmp0, $4  }
0x7: {  	s10 =	simm.s32 $0x0;
	s3 =	sadd.s32 $0x1400, s1;
	s5 =	sshll.u32 s4, $0x4  }
0x8: {  	s1 =	stileid.u32;
	s4 =	simm.s32 $0x1;
	s5 =	sand.u32 $0x10, s5  }
0x9: {  	s7 =	simm.s32 $0x0;
	[sflag:s4] =	ssyncpa.u1 $0x0;
	s5 =	sor.u32 s1, s5  }
0xa: {  	[sflag:s6] =	ssyncpa.u1 $0x0;
	s6 =	simm.s32 $0x1800;
	s11 =	smov.u32 s5  }
.LBB1_5:
0xb: {  	s16 =	sadd.s32 $0x80, s8  }
0xc: {  	s12 =	sadd.s32 $0x80, s9;
	s17 =	smov.u32 s9;
	p2 =	sgt.s32 s16, $0x2FF  }
0xd: {  	s17 =	smov.u32 @p2 s12  }
0xe: {  	s12 =	simm.s32 $0x1;
	p3 =	sgt.s32 s17, $0xFF  }
0xf: {  	s12 =	simm.s32 @!p3 $0x0  }
0x10: {  	s18 =	sadd.s32 s12, s10  }
0x11: {  	s19 =	smov.u32 s11;
	s12 =	sadd.s32 $0x20, s11;
	p4 =	sgt.s32 s18, $0x7  }
0x12: {  	p1 =	slt.u32 s7, $0x2;
	s19 =	smov.u32 @p4 s12  }
0x13: {  	s7 =	sadd.s32 $0x1, s7;
	s16 =	simm.s32 @p2 $0x0;
	p2 =	sgt.s32 s19, $0x1F  }
0x14: {  	s14 =	smov.u32 s8;
	s19 =	smov.u32 @p2 s5;
	p2 =	sne.s32 s7, $0x62  }
.Ltmp1:
0x15: {  	s15 =	smov.u32 s10;
	s20 =	simm.s32 @!p1 $0x2;
	(pc) =	sbr.rel @!p2 .LBB1_6-.Ltmp1, $4  }
0x16: {  	s13 =	smov.u32 s11;
	p0 =	por !p0, !p0;
	_ =	swait.ge @!p1 [sflag:s20], $0x4000  }
0x17: {  	[sflag:s20] =	ssyncset.done @!p1 $0x0;
	s8 =	smov.u32 s16;
	s17 =	simm.s32 @p3 $0x0  }
0x18: {  	[sflag:s20] =	ssyncadd.s32 @!p1 $0xFFFFC000;
	s18 =	simm.s32 @p4 $0x0;
	s12 =	smov.u32 s9  }
0x19: {  	s9 =	smov.u32 s17;
	s10 =	smov.u32 s18;
	s11 =	smov.u32 s19  }
.LBB1_1:
0x1a: {  	p1 =	sgt.u32 s7, $0x5F  }
0x1b: {  	s16 =	sshrl.u32 @!p1 s9, $0x3  }
0x1c: {  	s17 =	sshll.u32 @!p1 s8, $0x3;
	s16 =	smul.u32 @!p1 $0x1800, s16  }
0x1d: {  	s18 =	sshll.u32 @!p1 s9, $0x7;
	s17 =	sand.u32 @!p1 $0xFFFFFC00, s17  }
0x1e: {  	s16 =	sadd.s32 @!p1 s16, s17;
	s17 =	sand.u32 @!p1 $0x380, s18  }
0x1f: {  	s18 =	sand.u32 @!p1 $0x7F, s8;
	s16 =	sor.u32 @!p1 s17, s16  }
0x20: {  	s17 =	sor.u32 @!p1 s18, s16  }
0x21: {  	s18 =	smulhi.u32 @!p1 $0xAAAAAAAB, s17  }
0x22: {  	s16 =	smulhi.u32 @!p1 $0xAAAAAAAB, s16  }
0x23: {  	s20 =	smul.u32 @!p1 $0x30000, s11;
	s18 =	sshrl.u32 @!p1 s18, $0x9  }
0x24: {  	s19 =	sxor.u32 @!p1 $0xFFFFFFFF, s7;
	s16 =	sshrl.u32 @!p1 s16, $0x9;
	s18 =	smul.u32 @!p1 $0x300, s18  }
0x25: {  	s21 =	smul.u32 @!p1 $0x6000, s10;
	s19 =	sshll.u32 @!p1 s19, $0xE;
	s16 =	sand.u32 @!p1 $0xFF, s16  }
0x26: {  	s16 =	smul.u32 @!p1 $0x60, s16;
	s17 =	ssub.s32 @!p1 s17, s18;
	s18 =	sadd.s32 @!p1 s2, s20  }
0x27: {  	s19 =	sand.u32 @!p1 $0x4000, s19;
	s18 =	sadd.s32 @!p1 s21, s18;
	s20 =	sand.u32 @!p1 $0x7, s17  }
0x28: {  	s17 =	sshrl.u32 @!p1 s17, $0x3;
	s16 =	sadd.s32 @!p1 s16, s18;
	s18 =	sshll.u32 @!p1 s20, $0x12  }
0x29: {  	s16 =	sadd.s32 @!p1 s17, s16;
	s17 =	sor.u32 @!p1 $0x400, s18;
	s18 =	simm.s32 @!p1 $0x1800  }
0x2a: {  	[tilespmem:s19], [sflag:$0x1] =	stream.strided.gather @!p1 [hbm4b:s16+s17], $0x4000, s18, s17, $0x38;
	[tilespmem:$0x10000] =	vst v63  }
0x2b: {  	p1 =	seq.s32 s7, $0x0  }
0x2c: {  	p2 =	seq.s32 @!p1 s7, $0x61  }
0x2d: {  	p1 =	por p1, p2  }
.Ltmp2:
0x2e: {  	_ = 	snop;
	(pc) =	sbr.rel @p1 .LBB1_5-.Ltmp2, $1  }
0x2f: {  	_ =	sdelay $0x3  }
0x30: {  	s16 =	simm.s32 $0x1  }
0x31: {  	s16 =	simm.s32 @!p0 $0x0  }
0x32: {  	s16 =	sshll.u32 s16, $0xE  }
0x33: {  	s17 =	sor.u32 $0x40, s16  }
0x34: {  	v1 =	vmov s17;
	_ =	sdelay $0x1  }
0x35: {  	_ =	swait.ge [sflag:s4], $0x4000  }
0x36: {  	[sflag:s4] =	ssyncset.done $0x0  }
0x37: {  	s18 =	simm.s32 $0x0;
	[sflag:s4] =	ssyncadd.s32 $0xFFFFC000  }
0x38: {  	s16 =	sor.u32 $0x8070, s16;
	v6 =	vld.idx.msk [tilespmem:v1+s18+$0x30 ss:$0x1], $0xffff  }
0x39: {  	v0 =	vmov s16;
	v8 =	vld.idx.msk [tilespmem:v1+s18+$0xFFFFFFC0 ss:$0x1], $0xffff  }
0x3a: {  	v7 =	vld.idx.msk [tilespmem:v1+s18+$0xFFFFFFD0 ss:$0x1], $0xffff  }
0x3b: {  	v5 =	vld.idx.msk [tilespmem:v1+s18+$0xFFFFFFE0 ss:$0x1], $0xffff  }
0x3c: {  	v4 =	vld.idx.msk [tilespmem:v1+s18+$0xFFFFFFF0 ss:$0x1], $0xffff  }
0x3d: {  	s31 =	sshll.u32 s7, $0xE;
	v2 =	vld.idx.msk [tilespmem:v1+s18+$0x0 ss:$0x1], $0xffff  }
0x3e: {  	s16 =	sand.u32 $0x4000, s31;
	v3 =	vld.idx.msk [tilespmem:v1+s18+$0x10 ss:$0x1], $0xffff;
	[tilespmem:v0+s18+$0x0 ss:$0x1] =	vst.idx.msk $0xffff, v6  }
0x3f: {  	s19 =	simm.s32 $0x400;
	s17 =	simm.s32 $0x80;
	s16 =	sor.u32 $0x8000, s16;
	[tilespmem:v0+s18+$0xFFFFFF90 ss:$0x1] =	vst.idx.msk $0xffff, v8;
	v6 =	vld.idx.msk [tilespmem:v1+s18+$0x20 ss:$0x1], $0xffff  }
.LBB1_3:
0x40: {  	p1 =	sne.s32 s19, $0xFE00;
	v8 =	vld.idx.msk [tilespmem:v1+s17+$0x30 ss:$0x1], $0xffff;
	[tilespmem:v0+s18+$0xFFFFFFA0 ss:$0x1] =	vst.idx.msk $0xffff, v7  }
0x41: {  	v9 =	vld.idx.msk [tilespmem:v1+s17+$0xFFFFFFC0 ss:$0x1], $0xffff;
	[tilespmem:v0+s18+$0xFFFFFFB0 ss:$0x1] =	vst.idx.msk $0xffff, v5  }
0x42: {  	v7 =	vld.idx.msk [tilespmem:v1+s17+$0xFFFFFFD0 ss:$0x1], $0xffff;
	[tilespmem:v0+s18+$0xFFFFFFC0 ss:$0x1] =	vst.idx.msk $0xffff, v4  }
.Ltmp3:
0x43: {  	v5 =	vld.idx.msk [tilespmem:v1+s17+$0xFFFFFFE0 ss:$0x1], $0xffff;
	[tilespmem:v0+s18+$0xFFFFFFD0 ss:$0x1] =	vst.idx.msk $0xffff, v2;
	(pc) =	sbr.rel @p1 .LBB1_3-.Ltmp3, $4  }
0x44: {  	v4 =	vld.idx.msk [tilespmem:v1+s17+$0xFFFFFFF0 ss:$0x1], $0xffff;
	[tilespmem:v0+s18+$0xFFFFFFE0 ss:$0x1] =	vst.idx.msk $0xffff, v3  }
0x45: {  	v2 =	vld.idx.msk [tilespmem:v1+s17+$0x0 ss:$0x1], $0xffff;
	[tilespmem:v0+s18+$0xFFFFFFF0 ss:$0x1] =	vst.idx.msk $0xffff, v6;
	s18 =	smov.u32 s17  }
0x46: {  	v3 =	vld.idx.msk [tilespmem:v1+s18+$0x10 ss:$0x1], $0xffff;
	[tilespmem:v0+s18+$0x0 ss:$0x1] =	vst.idx.msk $0xffff, v8  }
0x47: {  	s17 =	sshra.s32 s19, $0x2;
	s19 =	sadd.s32 $0x200, s19;
	[tilespmem:v0+s18+$0xFFFFFF90 ss:$0x1] =	vst.idx.msk $0xffff, v9;
	v6 =	vld.idx.msk [tilespmem:v1+s18+$0x20 ss:$0x1], $0xffff  }
0x48: {  	_ =	sdelay $0x2  }
0x49: {  	s19 =	sshrl.u32 s15, $0x3  }
0x4a: {  	s20 =	sshll.u32 s14, $0x3;
	[tilespmem:v0+s18+$0xFFFFFFA0 ss:$0x1] =	vst.idx.msk $0xffff, v7;
	s19 =	smul.u32 $0x1800, s19  }
0x4b: {  	s27 =	sshll.u32 s15, $0x7;
	v56 =	vld.idx.msk [tilespmem:v1+s17+$0x30 ss:$0x1], $0xffff;
	[tilespmem:v0+s18+$0xFFFFFFB0 ss:$0x1] =	vst.idx.msk $0xffff, v5;
	s20 =	sand.u32 $0xFFFFFC00, s20  }
0x4c: {  	v57 =	vld.idx.msk [tilespmem:v1+s17+$0xFFFFFFC0 ss:$0x1], $0xffff;
	s15 =	sand.u32 $0x380, s27;
	[tilespmem:v0+s18+$0xFFFFFFC0 ss:$0x1] =	vst.idx.msk $0xffff, v4;
	s19 =	sadd.s32 s19, s20  }
0x4d: {  	s28 =	sand.u32 $0x7F, s14;
	v58 =	vld.idx.msk [tilespmem:v1+s17+$0xFFFFFFD0 ss:$0x1], $0xffff;
	[tilespmem:v0+s18+$0xFFFFFFD0 ss:$0x1] =	vst.idx.msk $0xffff, v2;
	s15 =	sor.u32 s15, s19  }
0x4e: {  	v59 =	vld.idx.msk [tilespmem:v1+s17+$0xFFFFFFE0 ss:$0x1], $0xffff;
	[tilespmem:v0+s18+$0xFFFFFFE0 ss:$0x1] =	vst.idx.msk $0xffff, v3;
	s14 =	sor.u32 s28, s15;
	s15 =	smulhi.u32 $0xAAAAAAAB, s15  }
0x4f: {  	v60 =	vld.idx.msk [tilespmem:v1+s17+$0xFFFFFFF0 ss:$0x1], $0xffff;
	[tilespmem:v0+s18+$0xFFFFFFF0 ss:$0x1] =	vst.idx.msk $0xffff, v6;
	s29 =	smulhi.u32 $0xAAAAAAAB, s14  }
0x50: {  	v61 =	vld.idx.msk [tilespmem:v1+s17+$0x0 ss:$0x1], $0xffff;
	s13 =	smul.u32 $0x30000, s13;
	[tilespmem:v0+s17+$0x0 ss:$0x1] =	vst.idx.msk $0xffff, v56  }
0x51: {  	v62 =	vld.idx.msk [tilespmem:v1+s17+$0x10 ss:$0x1], $0xffff;
	s12 =	smul.u32 $0x300, s12;
	[tilespmem:v0+s17+$0xFFFFFF90 ss:$0x1] =	vst.idx.msk $0xffff, v57;
	s15 =	sshrl.u32 s15, $0x9;
	s30 =	sshrl.u32 s29, $0x9  }
0x52: {  	v63 =	vld.idx.msk [tilespmem:v1+s17+$0x20 ss:$0x1], $0xffff;
	[tilespmem:v0+s17+$0xFFFFFFA0 ss:$0x1] =	vst.idx.msk $0xffff, v58;
	s15 =	sand.u32 $0x7, s15;
	s18 =	smul.u32 $0x300, s30  }
0x53: {  	[tilespmem:v0+s17+$0xFFFFFFB0 ss:$0x1] =	vst.idx.msk $0xffff, v59;
	s15 =	smul.u32 $0x60, s15  }
.Ltmp4:
0x54: {  	s13 =	sadd.s32 s3, s13;
	[tilespmem:v0+s17+$0xFFFFFFC0 ss:$0x1] =	vst.idx.msk $0xffff, v60;
	s14 =	ssub.s32 s14, s18;
	(pc) =	sbr.rel .LBB1_5-.Ltmp4, $4  }
0x55: {  	s12 =	sadd.s32 s12, s13;
	[tilespmem:v0+s17+$0xFFFFFFD0 ss:$0x1] =	vst.idx.msk $0xffff, v61;
	s31 =	sand.u32 $0x7, s14  }
0x56: {  	[tilespmem:v0+s17+$0xFFFFFFE0 ss:$0x1] =	vst.idx.msk $0xffff, v62;
	s12 =	sadd.s32 s15, s12;
	s14 =	sshrl.u32 s14, $0x3;
	s13 =	sshll.u32 s31, $0x12  }
0x57: {  	[tilespmem:v0+s17+$0xFFFFFFF0 ss:$0x1] =	vst.idx.msk $0xffff, v63;
	s12 =	sadd.s32 s14, s12;
	s13 =	sor.u32 $0x80, s13  }
0x58: {  	[hbm4b:s12+s13] =	stream.strided.scatter [tilespmem:s16], [sflag:$0x2], $0x4000, s6, s13, $0x38;
	[tilespmem:$0x10000] =	vst v63  }
.LBB1_6:
0x59: {  	_ =	sfence.sel $0x180000  }
0x5a: {  	s2 =	simm.s32 $0x1;
	[bflag:$0x0] =	sbarrier.arrive $0xFFFF  }
0x5b: {  	s31 =	simm.s32 $0x2;
	[sflag:s2] =	ssyncpa.u1 $0x1  }
0x5c: {  	[sflag:s31] =	ssyncpa.u1 $0x1  }
0x5d: {  	p0 =	sne.s32 s1, $0x0;
	_ =	strace $0x90000047  }
0x5e: {  	s0 =	sadd.s32 @!p0 $0x100000, s0;
	[bflag:$0x2] =	sbarrier.arrive $0xFFFF  }
0x5f: {  	[sflag:s0] =	ssyncadd.tile.s32 @!p0 $0x1;
	_ =	shalt  }
.Lfunc_end1:
_tile_overlayer_lowered:
.L_overlay_start_2:
0x60: {  	(tag) =	ssettag $0x2  }
0x61: {  	s0 =	rddreg [dreg:$0x0];
	s2 =	stileid.u32  }
0x62: {  	s1 =	rddreg [dreg:$0x1];
	p0 =	sne.s32 s2, $0x0  }
0x63: {  	s3 =	rddreg [dreg:$0x2];
	[bflag:$0x3] =	sbarrier.arrive $0xFFFF;
	s2 =	simm.s32 @!p0 $0x1C01  }
0x64: {  	[timem:s3], [sflag:s2] =	dma.local @!p0 [hbm:s0], s1  }
0x65: {  	s0 =	simm.s32 @!p0 $0x1  }
0x66: {  	_ =	swait.ge @!p0 [sflag:s0], s1  }
0x67: {  	s1 =	ssub.s32 @!p0 $0x0, s1;
	[sflag:s0] =	ssyncset.done @!p0 $0x0  }
0x68: {  	[sflag:s0] =	ssyncadd.s32 @!p0 s1  }
0x69: {  	[bflag:$0x3] =	sbarrier.arrive $0xFFFF  }
0x6a: {  	_ =	shalt  }

// kernel: sparse-core-data-format-call.cloned.1.call-start
scs
called_computation_lowered:
.L_overlay_start_0:
0x0: {  	s2 =	sld [smem:$0x3FD9]  }
0x1: {  	s3 =	sld [smem:$0x3FFE];
	_ =	sdelay $0x1  }
0x2: {  	s1 =	srdreg.scid  }
0x3: {  	s0 =	sand.u32 $0x1, s1  }
0x4: {  	s15 =	sshll.u32 s0, $0xA;
	s2 =	sadd.s32 s3, s2  }
0x5: {  	s2 =	sadd.s32 s2, s15  }
0x6: {  	[smem:$0x3FC3] =	sst s2  }
0x7: {  	_ = 	snop  }
0x8: {  	s2 =	sld [smem:$0x3FD0];
	_ =	sdelay $0x2  }
0x9: {  	s16 =	simm.s32 $0xA;
	s4 =	simm.s32 $0x10  }
0xa: {  	[smem:s4], [sflag:s16] =	dma.local [hbm:s2], $0x1  }
0xb: {  	_ =	swait.eq [sflag:s16], $0x1  }
0xc: {  	[sflag:s16] =	ssyncset.done $0x0  }
0xd: {  	[sflag:s16] =	ssyncadd.s32 $0xFFFFFFFF  }
0xe: {  	s17 =	sld [smem:$0x10];
	(tm) =	ssettm $0x1  }
0xf: {  	s18 =	sld [smem:$0x3FFB];
	_ =	sdelay $0x3  }
0x10: {  	_ =	strace s18  }
0x11: {  	s3 =	sld [smem:$0x3FFC];
	_ =	sdelay $0x3  }
0x12: {  	_ =	strace s3  }
0x13: {  	s3 =	sld [smem:$0x3FFD];
	_ =	sdelay $0x3  }
0x14: {  	_ =	strace s3  }
0x15: {  	_ =	strace $0x8FFFFFFF  }
0x16: {  	s19 =	sld [smem:$0x3FDB];
	_ =	sdelay $0x1  }
0x17: {  	s20 =	simm.s32 $_scs_section_size  }
0x18: {  	s5 =	simm.s32 $_size__tile_overlayer_lowered;
	s6 =	simm.s32 $_tile_overlayer_lowered  }
0x19: {  	s23 =	simm.s32 $0x1BFF;
	s22 =	sshll.u32 s6, $0x1;
	s3 =	sadd.s32 s20, s19  }
0x1a: {  	s7 =	simm.s32 $0x0;
	s21 =	sshll.u32 s5, $0x1;
	s5 =	sadd.s32 s22, s3  }
0x1b: {  	[timem:s7], [sflag:s23] =	dma.local [hbm:s5], s21  }
0x1c: {  	_ =	swait.ge [sflag:s23], s21  }
0x1d: {  	s4 =	ssub.s32 $0x0, s21;
	[sflag:s23] =	ssyncset.done $0x0  }
0x1e: {  	[sflag:s23] =	ssyncadd.s32 s4;
	_ =	sdelay $0x1  }
0x1f: {  	s24 =	simm.s32 $0x1B8B  }
0x20: {  	_ =	swait.ge [sflag:s24], $0x1  }
0x21: {  	[sflag:s24] =	ssyncset.done $0x0  }
0x22: {  	s26 =	simm.s32 $0x1B8E;
	s25 =	sld [smem:$0x3FFE];
	[sflag:s24] =	ssyncadd.s32 $0xFFFFFFFF  }
0x23: {  	s27 =	simm.s32 $execute0_lowered;
	[smem:$0x3FD2] =	sst s26  }
0x24: {  	s5 =	sshll.u32 s27, $0x1;
	_ =	strace $0x8000004C;
	[dreg:$0x1] =	wrdreg $0xFFFFFFFF  }
0x25: {  	s28 =	simm.s32 $_size_execute0_lowered;
	s3 =	sadd.s32 s3, s5;
	[dreg:$0x0] =	wrdreg $0x0  }
0x26: {  	s5 =	sshll.u32 s28, $0x1;
	[dreg:$0x2] =	wrdreg s3  }
0x27: {  	[dreg:$0x3] =	wrdreg s5  }
0x28: {  	[dreg:$0x4] =	wrdreg $0xC0  }
0x29: {  	_ =	task [dreg:s7], $0x5FFFF  }
0x2a: {  	[dreg:$0x1] =	wrdreg $0xFFFFFFFF  }
0x2b: {  	[dreg:$0x0] =	wrdreg $0x60  }
0x2c: {  	[dreg:$0x2] =	wrdreg s25  }
0x2d: {  	[dreg:$0x3] =	wrdreg s17  }
0x2e: {  	[dreg:$0x4] =	wrdreg $0x9  }
0x2f: {  	_ =	task.clear_ibuf [dreg:s7], $0x5FFFF;
	_ =	strace $0x9000004C  }
0x30: {  	s29 =	simm.s32 $0x9;
	_ =	strace $0x8000004E  }
0x31: {  	_ =	swait.ge [sflag:s29], $0x1  }
0x32: {  	[sflag:s29] =	ssyncadd.s32 $0xFFFFFFFF  }
0x33: {  	_ =	strace $0x9000004E  }
0x34: {  	_ =	sfence  }
0x35: {  	s30 =	sld [smem:$0x0];
	_ =	sdelay $0x2  }
0x36: {  	s31 =	sshll.u32 s1, $0xD;
	s1 =	sshrl.u32 s1, $0x2  }
0x37: {  	s3 =	sand.u32 $0x4000, s31;
	s1 =	sadd.s32 s1, s30  }
0x38: {  	s0 =	sor.u32 s3, s0;
	s1 =	sshll.u32 s1, $0x11  }
0x39: {  	s0 =	sor.u32 s1, s0  }
0x3a: {  	s0 =	sadd.s32 $0x8F2B, s0  }
0x3b: {  	[sflag:s0] =	ssyncadd.remote.s32 $0x1  }
0x3c: {  	_ =	sfence.sel $0xFFFF  }
0x3d: {  	[dreg:$0x0] =	wrdreg $0xFFFFFFFF;
	(pc) =	sbr.abs _section_cstart, $3  }
0x3e: {  	[dreg:$0x1] =	wrdreg $0xFFFFFFFF  }
0x3f: {  	_ =	task.clear_ibuf [dreg:s7], $0x2FFFF;
	_ =	strace $0x9FFFFFFF  }
0x40: {  	(tm) =	ssettm $0x7FFFFFFF  }
0x41: {  	_ =	shalt  }
tec
execute0_lowered:
.L_overlay_start_1:
0x0: {  	(tag) =	ssettag $0x1  }
0x1: {  	s3 =	rddreg [dreg:$0x0]  }
0x2: {  	s0 =	srdreg.scid;
	s1 =	rddreg [dreg:$0x1];
	s5 =	simm.s32 $0x1  }
0x3: {  	s8 =	simm.s32 $0x2;
	s16 =	simm.s32 $0x0;
	p0 =	por $0x0, $0x0  }
0x4: {  	s14 =	simm.s32 $0x0;
	s17 =	simm.s32 $0x0;
	s15 =	simm.s32 $0x0  }
0x5: {  	s10 =	simm.s32 $0x0;
	s12 =	stileid.u32;
	s2 =	sand.u32 $0x1, s0  }
0x6: {  	s13 =	simm.s32 $0x0;
	s0 =	rddreg [dreg:$0x2];
	s6 =	ssub.s32 $0x10, s2  }
.Ltmp0:
0x7: {  	_ =	strace $0x8000004D;
	s7 =	sshrl.u32 s6, $0x1;
	(pc) =	sbr.rel .LBB1_1-.Ltmp0, $4  }
0x8: {  	s4 =	sadd.s32 $0x1400, s3;
	s3 =	stileid.u32;
	s31 =	sadd.s32 s2, s7  }
0x9: {  	[sflag:s5] =	ssyncpa.u1 $0x0;
	s11 =	smov.u32 s2;
	s9 =	smul.u32 $0xFFFFFFF4, s31  }
0xa: {  	[sflag:s8] =	ssyncpa.u1 $0x0;
	s8 =	simm.s32 $0x30000;
	s6 =	ssub.s32 s6, s7  }
0xb: {  	s6 =	smul.u32 $0xC, s6;
	s7 =	sadd.s32 $0xC1, s9;
	s9 =	simm.s32 $0x0  }
.LBB1_4:
0xc: {  	_ =	sdelay $0x2  }
0xd: {  	s21 =	sshrl.u32 s17, $0x3  }
0xe: {  	s22 =	sshll.u32 s16, $0x3;
	[tilespmem:v0+s20+$0xFFFFFFA0 ss:$0x1] =	vst.idx.msk $0xffff, v7;
	s21 =	smul.u32 $0x1800, s21  }
0xf: {  	s27 =	sshll.u32 s17, $0x7;
	v56 =	vld.idx.msk [tilespmem:v1+s19+$0x30 ss:$0x1], $0xffff;
	[tilespmem:v0+s20+$0xFFFFFFB0 ss:$0x1] =	vst.idx.msk $0xffff, v5;
	s22 =	sand.u32 $0xFFFFFC00, s22  }
0x10: {  	v57 =	vld.idx.msk [tilespmem:v1+s19+$0xFFFFFFC0 ss:$0x1], $0xffff;
	[tilespmem:v0+s20+$0xFFFFFFC0 ss:$0x1] =	vst.idx.msk $0xffff, v4;
	s17 =	sand.u32 $0x380, s27;
	s21 =	sadd.s32 s21, s22  }
0x11: {  	s28 =	sand.u32 $0x7F, s16;
	v58 =	vld.idx.msk [tilespmem:v1+s19+$0xFFFFFFD0 ss:$0x1], $0xffff;
	[tilespmem:v0+s20+$0xFFFFFFD0 ss:$0x1] =	vst.idx.msk $0xffff, v2;
	s17 =	sor.u32 s17, s21  }
0x12: {  	v59 =	vld.idx.msk [tilespmem:v1+s19+$0xFFFFFFE0 ss:$0x1], $0xffff;
	[tilespmem:v0+s20+$0xFFFFFFE0 ss:$0x1] =	vst.idx.msk $0xffff, v3;
	s16 =	sor.u32 s28, s17  }
0x13: {  	[tilespmem:v0+s20+$0xFFFFFFF0 ss:$0x1] =	vst.idx.msk $0xffff, v6;
	v60 =	vld.idx.msk [tilespmem:v1+s19+$0xFFFFFFF0 ss:$0x1], $0xffff;
	s29 =	smulhi.u32 $0xAAAAAAAB, s16  }
0x14: {  	v61 =	vld.idx.msk [tilespmem:v1+s19+$0x0 ss:$0x1], $0xffff;
	[tilespmem:v0+s19+$0x0 ss:$0x1] =	vst.idx.msk $0xffff, v56;
	s17 =	smulhi.u32 $0xAAAAAAAB, s17  }
0x15: {  	v62 =	vld.idx.msk [tilespmem:v1+s19+$0x10 ss:$0x1], $0xffff;
	s15 =	smul.u32 $0x600, s15;
	[tilespmem:v0+s19+$0xFFFFFF90 ss:$0x1] =	vst.idx.msk $0xffff, v57;
	s30 =	sshrl.u32 s29, $0x9  }
0x16: {  	v63 =	vld.idx.msk [tilespmem:v1+s19+$0x20 ss:$0x1], $0xffff;
	[tilespmem:v0+s19+$0xFFFFFFA0 ss:$0x1] =	vst.idx.msk $0xffff, v58;
	s17 =	sshrl.u32 s17, $0x9;
	s20 =	smul.u32 $0x300, s30  }
0x17: {  	s14 =	smul.u32 $0x6000, s14;
	[tilespmem:v0+s19+$0xFFFFFFB0 ss:$0x1] =	vst.idx.msk $0xffff, v59;
	s17 =	sand.u32 $0xF, s17  }
0x18: {  	s15 =	sadd.s32 s1, s15;
	[tilespmem:v0+s19+$0xFFFFFFC0 ss:$0x1] =	vst.idx.msk $0xffff, v60;
	s17 =	smul.u32 $0x60, s17;
	s16 =	ssub.s32 s16, s20  }
0x19: {  	s14 =	sadd.s32 s14, s15;
	[tilespmem:v0+s19+$0xFFFFFFD0 ss:$0x1] =	vst.idx.msk $0xffff, v61;
	s31 =	sand.u32 $0x7, s16  }
0x1a: {  	[tilespmem:v0+s19+$0xFFFFFFE0 ss:$0x1] =	vst.idx.msk $0xffff, v62;
	s14 =	sadd.s32 s17, s14;
	s16 =	sshrl.u32 s16, $0x3;
	s15 =	sshll.u32 s31, $0x12  }
0x1b: {  	[tilespmem:v0+s19+$0xFFFFFFF0 ss:$0x1] =	vst.idx.msk $0xffff, v63;
	s14 =	sadd.s32 s16, s14;
	s15 =	sor.u32 $0x80, s15  }
0x1c: {  	[hbm4b:s14+s15] =	stream.strided.scatter [tilespmem:s18], [sflag:$0x2], $0x4000, s8, s15, $0x38;
	[tilespmem:$0x10000] =	vst v63  }
.LBB1_5:
0x1d: {  	s18 =	sadd.s32 $0x80, s9  }
0x1e: {  	s14 =	sadd.s32 $0x80, s10;
	s19 =	smov.u32 s10;
	p2 =	sgt.s32 s18, $0x2FF  }
0x1f: {  	s19 =	smov.u32 @p2 s14  }
0x20: {  	s20 =	smov.u32 s11;
	s14 =	sadd.s32 $0x2, s11;
	p3 =	sgt.s32 s19, $0xFF  }
0x21: {  	s20 =	smov.u32 @p3 s14  }
0x22: {  	s21 =	smov.u32 s12;
	s14 =	sadd.s32 $0x10, s12;
	p4 =	sgt.s32 s20, $0xF  }
0x23: {  	p1 =	slt.u32 s13, $0x2;
	s21 =	smov.u32 @p4 s14  }
0x24: {  	s16 =	smov.u32 s9;
	s18 =	simm.s32 @p2 $0x0;
	p2 =	sgt.s32 s21, $0xF  }
0x25: {  	s22 =	simm.s32 @!p1 $0x2;
	s21 =	smov.u32 @p2 s3;
	p2 =	sne.s32 s13, s7  }
.Ltmp1:
0x26: {  	s17 =	smov.u32 s11;
	_ =	swait.ge @!p1 [sflag:s22], $0x4000;
	(pc) =	sbr.rel @!p2 .LBB1_6-.Ltmp1, $4  }
0x27: {  	s15 =	smov.u32 s12;
	p0 =	por !p0, !p0;
	[sflag:s22] =	ssyncset.done @!p1 $0x0  }
0x28: {  	s9 =	smov.u32 s18;
	s19 =	simm.s32 @p3 $0x0;
	[sflag:s22] =	ssyncadd.s32 @!p1 $0xFFFFC000  }
0x29: {  	s20 =	smov.u32 @p4 s2;
	s14 =	smov.u32 s10;
	s10 =	smov.u32 s19  }
0x2a: {  	s11 =	smov.u32 s20;
	s13 =	sadd.s32 $0x1, s13;
	s12 =	smov.u32 s21  }
.LBB1_1:
0x2b: {  	_ = 	snop  }
0x2c: {  	p1 =	sge.u32 s13, s6  }
0x2d: {  	s18 =	sshrl.u32 @!p1 s10, $0x3  }
0x2e: {  	s19 =	sshll.u32 @!p1 s9, $0x3;
	s18 =	smul.u32 @!p1 $0x1800, s18  }
0x2f: {  	s20 =	sshll.u32 @!p1 s10, $0x7;
	s19 =	sand.u32 @!p1 $0xFFFFFC00, s19  }
0x30: {  	s18 =	sadd.s32 @!p1 s18, s19;
	s19 =	sand.u32 @!p1 $0x380, s20  }
0x31: {  	s20 =	sand.u32 @!p1 $0x7F, s9;
	s18 =	sor.u32 @!p1 s19, s18  }
0x32: {  	s19 =	sor.u32 @!p1 s20, s18  }
0x33: {  	s20 =	smulhi.u32 @!p1 $0xAAAAAAAB, s19  }
0x34: {  	s18 =	smulhi.u32 @!p1 $0xAAAAAAAB, s18  }
0x35: {  	s31 =	sadd.s32 $0xFFFFFFFF, s13;
	s22 =	smul.u32 @!p1 $0x60000, s12;
	s20 =	sshrl.u32 @!p1 s20, $0x9  }
0x36: {  	s21 =	sxor.u32 @!p1 $0xFFFFFFFF, s13;
	s18 =	sshrl.u32 @!p1 s18, $0x9;
	s20 =	smul.u32 @!p1 $0x300, s20  }
0x37: {  	s23 =	smul.u32 @!p1 $0x6000, s11;
	s21 =	sshll.u32 @!p1 s21, $0xE;
	s18 =	sand.u32 @!p1 $0xFF, s18  }
0x38: {  	s18 =	smul.u32 @!p1 $0x60, s18;
	s19 =	ssub.s32 @!p1 s19, s20;
	s20 =	sadd.s32 @!p1 s4, s22  }
0x39: {  	s21 =	sand.u32 @!p1 $0x4000, s21;
	s20 =	sadd.s32 @!p1 s23, s20;
	s22 =	sand.u32 @!p1 $0x7, s19  }
0x3a: {  	s19 =	sshrl.u32 @!p1 s19, $0x3;
	s18 =	sadd.s32 @!p1 s18, s20;
	s20 =	sshll.u32 @!p1 s22, $0x12  }
0x3b: {  	s18 =	sadd.s32 @!p1 s19, s18;
	s19 =	sor.u32 @!p1 $0x400, s20;
	s20 =	simm.s32 @!p1 $0x1800  }
0x3c: {  	[tilespmem:s21], [sflag:$0x1] =	stream.strided.gather @!p1 [hbm4b:s18+s19], $0x4000, s20, s19, $0x38;
	[tilespmem:$0x10000] =	vst v63  }
0x3d: {  	p1 =	sge.u32 s31, s6  }
.Ltmp2:
0x3e: {  	_ = 	snop;
	(pc) =	sbr.rel @p1 .LBB1_5-.Ltmp2, $1  }
0x3f: {  	_ =	sdelay $0x3  }
0x40: {  	s18 =	simm.s32 $0x1  }
0x41: {  	s18 =	simm.s32 @!p0 $0x0  }
0x42: {  	s18 =	sshll.u32 s18, $0xE  }
0x43: {  	s19 =	sor.u32 $0x40, s18  }
0x44: {  	v1 =	vmov s19;
	_ =	sdelay $0x1  }
0x45: {  	_ =	swait.ge [sflag:s5], $0x4000  }
0x46: {  	[sflag:s5] =	ssyncset.done $0x0  }
0x47: {  	s20 =	simm.s32 $0x0;
	[sflag:s5] =	ssyncadd.s32 $0xFFFFC000  }
0x48: {  	s18 =	sor.u32 $0x8070, s18;
	v6 =	vld.idx.msk [tilespmem:v1+s20+$0x30 ss:$0x1], $0xffff  }
0x49: {  	v0 =	vmov s18;
	v8 =	vld.idx.msk [tilespmem:v1+s20+$0xFFFFFFC0 ss:$0x1], $0xffff  }
0x4a: {  	v7 =	vld.idx.msk [tilespmem:v1+s20+$0xFFFFFFD0 ss:$0x1], $0xffff  }
0x4b: {  	v5 =	vld.idx.msk [tilespmem:v1+s20+$0xFFFFFFE0 ss:$0x1], $0xffff  }
0x4c: {  	v4 =	vld.idx.msk [tilespmem:v1+s20+$0xFFFFFFF0 ss:$0x1], $0xffff  }
0x4d: {  	s31 =	sshll.u32 s13, $0xE;
	v2 =	vld.idx.msk [tilespmem:v1+s20+$0x0 ss:$0x1], $0xffff  }
0x4e: {  	s18 =	sand.u32 $0x4000, s31;
	v3 =	vld.idx.msk [tilespmem:v1+s20+$0x10 ss:$0x1], $0xffff;
	[tilespmem:v0+s20+$0x0 ss:$0x1] =	vst.idx.msk $0xffff, v6  }
0x4f: {  	s21 =	simm.s32 $0x400;
	s19 =	simm.s32 $0x80;
	s18 =	sor.u32 $0x8000, s18;
	[tilespmem:v0+s20+$0xFFFFFF90 ss:$0x1] =	vst.idx.msk $0xffff, v8;
	v6 =	vld.idx.msk [tilespmem:v1+s20+$0x20 ss:$0x1], $0xffff  }
.LBB1_3:
0x50: {  	p1 =	sne.s32 s21, $0xFE00;
	v8 =	vld.idx.msk [tilespmem:v1+s19+$0x30 ss:$0x1], $0xffff;
	[tilespmem:v0+s20+$0xFFFFFFA0 ss:$0x1] =	vst.idx.msk $0xffff, v7  }
0x51: {  	v9 =	vld.idx.msk [tilespmem:v1+s19+$0xFFFFFFC0 ss:$0x1], $0xffff;
	[tilespmem:v0+s20+$0xFFFFFFB0 ss:$0x1] =	vst.idx.msk $0xffff, v5  }
0x52: {  	v7 =	vld.idx.msk [tilespmem:v1+s19+$0xFFFFFFD0 ss:$0x1], $0xffff;
	[tilespmem:v0+s20+$0xFFFFFFC0 ss:$0x1] =	vst.idx.msk $0xffff, v4  }
.Ltmp3:
0x53: {  	v5 =	vld.idx.msk [tilespmem:v1+s19+$0xFFFFFFE0 ss:$0x1], $0xffff;
	[tilespmem:v0+s20+$0xFFFFFFD0 ss:$0x1] =	vst.idx.msk $0xffff, v2;
	(pc) =	sbr.rel @p1 .LBB1_3-.Ltmp3, $4  }
0x54: {  	v4 =	vld.idx.msk [tilespmem:v1+s19+$0xFFFFFFF0 ss:$0x1], $0xffff;
	[tilespmem:v0+s20+$0xFFFFFFE0 ss:$0x1] =	vst.idx.msk $0xffff, v3  }
0x55: {  	v2 =	vld.idx.msk [tilespmem:v1+s19+$0x0 ss:$0x1], $0xffff;
	[tilespmem:v0+s20+$0xFFFFFFF0 ss:$0x1] =	vst.idx.msk $0xffff, v6;
	s20 =	smov.u32 s19  }
0x56: {  	v3 =	vld.idx.msk [tilespmem:v1+s20+$0x10 ss:$0x1], $0xffff;
	[tilespmem:v0+s20+$0x0 ss:$0x1] =	vst.idx.msk $0xffff, v8  }
0x57: {  	s19 =	sshra.s32 s21, $0x2;
	s21 =	sadd.s32 $0x200, s21;
	[tilespmem:v0+s20+$0xFFFFFF90 ss:$0x1] =	vst.idx.msk $0xffff, v9;
	v6 =	vld.idx.msk [tilespmem:v1+s20+$0x20 ss:$0x1], $0xffff  }
.Ltmp4:
0x58: {  	_ = 	snop;
	(pc) =	sbr.rel .LBB1_4-.Ltmp4, $1  }
0x59: {  	_ =	sdelay $0x3  }
.LBB1_6:
0x5a: {  	_ =	sfence.sel $0x180000  }
0x5b: {  	s1 =	simm.s32 $0x1;
	[bflag:$0x0] =	sbarrier.arrive $0xFFFF  }
0x5c: {  	s31 =	simm.s32 $0x2;
	[sflag:s1] =	ssyncpa.u1 $0x1  }
0x5d: {  	[sflag:s31] =	ssyncpa.u1 $0x1  }
0x5e: {  	p0 =	sne.s32 s3, $0x0;
	_ =	strace $0x9000004D  }
0x5f: {  	s0 =	sadd.s32 @!p0 $0x100000, s0;
	[bflag:$0x2] =	sbarrier.arrive $0xFFFF  }
0x60: {  	[sflag:s0] =	ssyncadd.tile.s32 @!p0 $0x1;
	_ =	shalt  }
.Lfunc_end1:
_tile_overlayer_lowered:
.L_overlay_start_2:
0x61: {  	(tag) =	ssettag $0x2  }
0x62: {  	s0 =	rddreg [dreg:$0x0];
	s2 =	stileid.u32  }
0x63: {  	s1 =	rddreg [dreg:$0x1];
	p0 =	sne.s32 s2, $0x0  }
0x64: {  	s3 =	rddreg [dreg:$0x2];
	[bflag:$0x3] =	sbarrier.arrive $0xFFFF;
	s2 =	simm.s32 @!p0 $0x1C01  }
0x65: {  	[timem:s3], [sflag:s2] =	dma.local @!p0 [hbm:s0], s1  }
0x66: {  	s0 =	simm.s32 @!p0 $0x1  }
0x67: {  	_ =	swait.ge @!p0 [sflag:s0], s1  }
0x68: {  	s1 =	ssub.s32 @!p0 $0x0, s1;
	[sflag:s0] =	ssyncset.done @!p0 $0x0  }
0x69: {  	[sflag:s0] =	ssyncadd.s32 @!p0 s1  }
0x6a: {  	[bflag:$0x3] =	sbarrier.arrive $0xFFFF  }
0x6b: {  	_ =	shalt  }

</sc_bundles>
